<compile_context>
chip_gen: v7x
topology: tpu7x:2x2x1
jax: 0.10.2.dev20260603
libtpu: 0.0.44.dev20260713+nightly
codegen_flags: <defaults>
</compile_context>

<pallas_src>
import functools

import jax
import jax.numpy as jnp
from jax import lax
from jax.experimental import pallas as pl
from jax.experimental.pallas import tpu as pltpu
from jax.experimental.pallas import tpu_sc as plsc

_D = 64
_B = 4096
_H = 50
_NW = 32
_BPW = _B // _NW
_NBUF = 8
_NL = 16
_DBLK = _D // _NL
_INV_H = 1.0 / _H


def _sc_body(text_hbm, table_hbm, out_hbm, idx_v, rows_v, out_v, sems):
    wid = lax.axis_index("s") * 2 + lax.axis_index("c")
    base = wid * _BPW

    pltpu.sync_copy(text_hbm.at[pl.ds(base, _BPW)], idx_v)

    def _fire(r, b):
        pltpu.make_async_copy(
            table_hbm.at[idx_v.at[r]], rows_v.at[b], sems.at[b]
        ).start()

    def _wait(b):
        pltpu.make_async_copy(
            table_hbm.at[idx_v.at[0]], rows_v.at[b], sems.at[b]
        ).wait()

    for b in range(_NBUF):
        _fire(b, b)

    def _outer(g, carry):
        r0 = g * _NBUF
        for b in range(_NBUF):
            r = r0 + b
            _wait(b)
            rbuf = rows_v.at[b]

            def _jbody(j, accs, rbuf=rbuf):
                a = tuple(
                    accs[k] + rbuf[2 * j, pl.ds(_NL * k, _NL)]
                    for k in range(_DBLK)
                )
                return tuple(
                    a[k] + rbuf[2 * j + 1, pl.ds(_NL * k, _NL)]
                    for k in range(_DBLK)
                )

            z = jnp.zeros((_NL,), jnp.float32)
            accs = lax.fori_loop(0, _H // 2, _jbody, (z,) * _DBLK)

            nxt = r + _NBUF

            @pl.when(nxt < _BPW)
            def _():
                _fire(nxt, b)

            for k in range(_DBLK):
                out_v[r, pl.ds(_NL * k, _NL)] = accs[k] * _INV_H
        return carry

    lax.fori_loop(0, _BPW // _NBUF, _outer, 0)

    pltpu.sync_copy(out_v, out_hbm.at[pl.ds(base, _BPW)])


@functools.partial(
    pl.kernel,
    out_type=jax.ShapeDtypeStruct((_B, _D), jnp.float32),
    mesh=plsc.VectorSubcoreMesh(core_axis_name="c", subcore_axis_name="s"),
    compiler_params=pltpu.CompilerParams(use_tc_tiling_on_sc=False),
    scratch_types=[
        pltpu.VMEM((_BPW, _H), jnp.int32),
        pltpu.VMEM((_NBUF, _H, _D), jnp.float32),
        pltpu.VMEM((_BPW, _D), jnp.float32),
        pltpu.SemaphoreType.DMA((_NBUF,)),
    ],
)
def _embed_mean(text_hbm, table_hbm, out_hbm, idx_v, rows_v, out_v, sems):
    _sc_body(text_hbm, table_hbm, out_hbm, idx_v, rows_v, out_v, sems)


def kernel(text, text_length, embeddings):
    del text_length
    return _embed_mean(text.astype(jnp.int32), embeddings)

# --- scband reference (transcript-rebuilt; emitter-appended) ---
"""Pipeline reference for scband-baseline-26585847562593 (READ-ONLY COPY).

The authoritative reference and input builder live on the scoring server;
editing this copy changes nothing except your own understanding.
"""

import jax, jax.numpy as jnp
import numpy as np

VOCAB = 1000000
EMBED_DIM = 64
BATCH = 4096
HIST = 50

def setup_inputs(seed: int = 0) -> dict:
    key = jax.random.key(seed)
    k1, k2, k3 = jax.random.split(key, 3)
    text = jax.random.randint(k1, (BATCH, HIST), 0, VOCAB, dtype=jnp.int64)
    text_length = jax.random.randint(k2, (BATCH,), 1, HIST + 1, dtype=jnp.int64)
    embeddings = jax.random.normal(k3, (VOCAB, EMBED_DIM), dtype=jnp.float32)
    return {"text": text, "text_length": text_length, "embeddings": embeddings}

def reference(text, text_length, embeddings):
    # nn.Embedding lookup (frozen table) -> gather rows
    embedded = jnp.take(embeddings, text, axis=0)  # [B, L, D]
    # torch.mean over dim=1 (text_length is ignored by the original module)
    mean_embedded = jnp.mean(embedded, axis=1)  # [B, D]
    return mean_embedded

if __name__ == "__main__":
    import jax
    _d = setup_inputs()
    print(jax.jit(kernel)(*tuple(_d.values())))

</pallas_src>

<mosaic_0001>
#map = affine_map<(d0, d1) -> (0, 0)>
module attributes {stable_mosaic.version = 14 : i64} {
  func.func @_embed_mean(%arg0: i32, %arg1: i32, %arg2: memref<4096x50xi32, #tpu.memory_space<hbm>>, %arg3: memref<1000000x64xf32, #tpu.memory_space<hbm>>, %arg4: memref<4096x64xf32, #tpu.memory_space<hbm>>, %arg5: memref<128x50xi32, #tpu.memory_space<vmem>>, %arg6: memref<8x50x64xf32, #tpu.memory_space<vmem>>, %arg7: memref<128x64xf32, #tpu.memory_space<vmem>>, %arg8: memref<8x!tpu.dma_semaphore, #tpu.memory_space<semaphore_mem>>) attributes {dimension_semantics = [#tpu.dimension_semantics<core_parallel>, #tpu.dimension_semantics<subcore_parallel>], iteration_bounds = array<i64: 2, 16>, scalar_prefetch = 0 : i64, scratch_operands = 4 : i64, tpu.core_type = #tpu.core_type<sc_vector_subcore>, window_params = [{transform_indices = #map}, {transform_indices = #map}, {transform_indices = #map}]} {
    %mul3A = arith.constant 2 : i32
    %mul3A_0 = arith.muli %arg1, %mul3A : i32
    %add3A = arith.addi %mul3A_0, %arg0 : i32
    %mul3A_1 = arith.constant 128 : i32
    %mul3A_2 = arith.muli %add3A, %mul3A_1 : i32
    "tpu.region"() ({
      %run_scoped3A = tpu.sem_alloc : memref<!tpu.dma_semaphore, #tpu.memory_space<semaphore_mem>>
      %dma_start3A_127 = arith.constant 0 : i32
      %dma_start3A_128 = tpu.memref_slice %arg2[%mul3A_2, %dma_start3A_127] : memref<4096x50xi32, #tpu.memory_space<hbm>> -> memref<128x50xi32, #tpu.memory_space<hbm>>
      %dma_start3A_129 = arith.constant 0 : i32
      %dma_start3A_130 = tpu.memref_slice %arg2[%mul3A_2, %dma_start3A_129] : memref<4096x50xi32, #tpu.memory_space<hbm>> -> memref<128x50xi32, #tpu.memory_space<hbm>>
      tpu.enqueue_dma source(%dma_start3A_130 : memref<128x50xi32, #tpu.memory_space<hbm>>) target(%arg5 : memref<128x50xi32, #tpu.memory_space<vmem>>) target_semaphore(%run_scoped3A : memref<!tpu.dma_semaphore, #tpu.memory_space<semaphore_mem>>)
      %dma_wait3A = arith.constant 0 : i32
      %dma_wait3A_131 = tpu.memref_slice %arg2[%mul3A_2, %dma_wait3A] : memref<4096x50xi32, #tpu.memory_space<hbm>> -> memref<128x50xi32, #tpu.memory_space<hbm>>
      %dma_wait3A_132 = arith.constant 0 : i32
      %dma_wait3A_133 = tpu.memref_slice %arg2[%mul3A_2, %dma_wait3A_132] : memref<4096x50xi32, #tpu.memory_space<hbm>> -> memref<128x50xi32, #tpu.memory_space<hbm>>
      tpu.wait_dma2 semaphore(%run_scoped3A : memref<!tpu.dma_semaphore, #tpu.memory_space<semaphore_mem>>) src(%dma_wait3A_133 : memref<128x50xi32, #tpu.memory_space<hbm>>) dst(%arg5 : memref<128x50xi32, #tpu.memory_space<vmem>>)
      tpu.yield
    }) : () -> ()
    %dma_start3A = arith.constant 0 : i32
    %dma_start3A_3 = arith.constant 0 : i32
    %dma_start3A_4 = arith.constant 0 : i32
    %dma_start3A_5 = arith.constant 0 : i32
    %dma_start3A_6 = arith.constant 0 : i32
    %dma_start3A_7 = tpu.memref_slice %arg6[%dma_start3A_3, %dma_start3A_5, %dma_start3A_6] : memref<8x50x64xf32, #tpu.memory_space<vmem>> -> memref<1x50x64xf32, #tpu.memory_space<vmem>>
    %dma_start3A_8 = tpu.memref_squeeze %dma_start3A_7 : memref<1x50x64xf32, #tpu.memory_space<vmem>> -> memref<50x64xf32, #tpu.memory_space<vmem>>
    %dma_start3A_9 = arith.constant 0 : i32
    %dma_start3A_10 = tpu.memref_slice %arg5[%dma_start3A, %dma_start3A_9] : memref<128x50xi32, #tpu.memory_space<vmem>> -> memref<1x50xi32, #tpu.memory_space<vmem>>
    %dma_start3A_11 = tpu.memref_squeeze %dma_start3A_10 : memref<1x50xi32, #tpu.memory_space<vmem>> -> memref<50xi32, #tpu.memory_space<vmem>>
    %dma_start3A_12 = arith.constant 0 : i32
    %dma_start3A_13 = arith.constant 0 : i32
    %dma_start3A_14 = tpu.memref_slice %arg3[%dma_start3A_12, %dma_start3A_13] : memref<1000000x64xf32, #tpu.memory_space<hbm>> -> memref<1000000x64xf32, #tpu.memory_space<hbm>>
    %dma_start3A_15 = tpu.memref_slice %arg8[%dma_start3A_4] : memref<8x!tpu.dma_semaphore, #tpu.memory_space<semaphore_mem>> -> memref<1x!tpu.dma_semaphore, #tpu.memory_space<semaphore_mem>>
    %dma_start3A_16 = tpu.memref_squeeze %dma_start3A_15 : memref<1x!tpu.dma_semaphore, #tpu.memory_space<semaphore_mem>> -> memref<!tpu.dma_semaphore, #tpu.memory_space<semaphore_mem>>
    tpu.enqueue_indirect_dma source(%dma_start3A_14 : memref<1000000x64xf32, #tpu.memory_space<hbm>>) target(%dma_start3A_8 : memref<50x64xf32, #tpu.memory_space<vmem>>) offsets(%dma_start3A_11 : memref<50xi32, #tpu.memory_space<vmem>>) semaphore(%dma_start3A_16 : memref<!tpu.dma_semaphore, #tpu.memory_space<semaphore_mem>>)
    %dma_start3A_17 = arith.constant 1 : i32
    %dma_start3A_18 = arith.constant 1 : i32
    %dma_start3A_19 = arith.constant 1 : i32
    %dma_start3A_20 = arith.constant 0 : i32
    %dma_start3A_21 = arith.constant 0 : i32
    %dma_start3A_22 = tpu.memref_slice %arg6[%dma_start3A_18, %dma_start3A_20, %dma_start3A_21] : memref<8x50x64xf32, #tpu.memory_space<vmem>> -> memref<1x50x64xf32, #tpu.memory_space<vmem>>
    %dma_start3A_23 = tpu.memref_squeeze %dma_start3A_22 : memref<1x50x64xf32, #tpu.memory_space<vmem>> -> memref<50x64xf32, #tpu.memory_space<vmem>>
    %dma_start3A_24 = arith.constant 0 : i32
    %dma_start3A_25 = tpu.memref_slice %arg5[%dma_start3A_17, %dma_start3A_24] : memref<128x50xi32, #tpu.memory_space<vmem>> -> memref<1x50xi32, #tpu.memory_space<vmem>>
    %dma_start3A_26 = tpu.memref_squeeze %dma_start3A_25 : memref<1x50xi32, #tpu.memory_space<vmem>> -> memref<50xi32, #tpu.memory_space<vmem>>
    %dma_start3A_27 = arith.constant 0 : i32
    %dma_start3A_28 = arith.constant 0 : i32
    %dma_start3A_29 = tpu.memref_slice %arg3[%dma_start3A_27, %dma_start3A_28] : memref<1000000x64xf32, #tpu.memory_space<hbm>> -> memref<1000000x64xf32, #tpu.memory_space<hbm>>
    %dma_start3A_30 = tpu.memref_slice %arg8[%dma_start3A_19] : memref<8x!tpu.dma_semaphore, #tpu.memory_space<semaphore_mem>> -> memref<1x!tpu.dma_semaphore, #tpu.memory_space<semaphore_mem>>
    %dma_start3A_31 = tpu.memref_squeeze %dma_start3A_30 : memref<1x!tpu.dma_semaphore, #tpu.memory_space<semaphore_mem>> -> memref<!tpu.dma_semaphore, #tpu.memory_space<semaphore_mem>>
    tpu.enqueue_indirect_dma source(%dma_start3A_29 : memref<1000000x64xf32, #tpu.memory_space<hbm>>) target(%dma_start3A_23 : memref<50x64xf32, #tpu.memory_space<vmem>>) offsets(%dma_start3A_26 : memref<50xi32, #tpu.memory_space<vmem>>) semaphore(%dma_start3A_31 : memref<!tpu.dma_semaphore, #tpu.memory_space<semaphore_mem>>)
    %dma_start3A_32 = arith.constant 2 : i32
    %dma_start3A_33 = arith.constant 2 : i32
    %dma_start3A_34 = arith.constant 2 : i32
    %dma_start3A_35 = arith.constant 0 : i32
    %dma_start3A_36 = arith.constant 0 : i32
    %dma_start3A_37 = tpu.memref_slice %arg6[%dma_start3A_33, %dma_start3A_35, %dma_start3A_36] : memref<8x50x64xf32, #tpu.memory_space<vmem>> -> memref<1x50x64xf32, #tpu.memory_space<vmem>>
    %dma_start3A_38 = tpu.memref_squeeze %dma_start3A_37 : memref<1x50x64xf32, #tpu.memory_space<vmem>> -> memref<50x64xf32, #tpu.memory_space<vmem>>
    %dma_start3A_39 = arith.constant 0 : i32
    %dma_start3A_40 = tpu.memref_slice %arg5[%dma_start3A_32, %dma_start3A_39] : memref<128x50xi32, #tpu.memory_space<vmem>> -> memref<1x50xi32, #tpu.memory_space<vmem>>
    %dma_start3A_41 = tpu.memref_squeeze %dma_start3A_40 : memref<1x50xi32, #tpu.memory_space<vmem>> -> memref<50xi32, #tpu.memory_space<vmem>>
    %dma_start3A_42 = arith.constant 0 : i32
    %dma_start3A_43 = arith.constant 0 : i32
    %dma_start3A_44 = tpu.memref_slice %arg3[%dma_start3A_42, %dma_start3A_43] : memref<1000000x64xf32, #tpu.memory_space<hbm>> -> memref<1000000x64xf32, #tpu.memory_space<hbm>>
    %dma_start3A_45 = tpu.memref_slice %arg8[%dma_start3A_34] : memref<8x!tpu.dma_semaphore, #tpu.memory_space<semaphore_mem>> -> memref<1x!tpu.dma_semaphore, #tpu.memory_space<semaphore_mem>>
    %dma_start3A_46 = tpu.memref_squeeze %dma_start3A_45 : memref<1x!tpu.dma_semaphore, #tpu.memory_space<semaphore_mem>> -> memref<!tpu.dma_semaphore, #tpu.memory_space<semaphore_mem>>
    tpu.enqueue_indirect_dma source(%dma_start3A_44 : memref<1000000x64xf32, #tpu.memory_space<hbm>>) target(%dma_start3A_38 : memref<50x64xf32, #tpu.memory_space<vmem>>) offsets(%dma_start3A_41 : memref<50xi32, #tpu.memory_space<vmem>>) semaphore(%dma_start3A_46 : memref<!tpu.dma_semaphore, #tpu.memory_space<semaphore_mem>>)
    %dma_start3A_47 = arith.constant 3 : i32
    %dma_start3A_48 = arith.constant 3 : i32
    %dma_start3A_49 = arith.constant 3 : i32
    %dma_start3A_50 = arith.constant 0 : i32
    %dma_start3A_51 = arith.constant 0 : i32
    %dma_start3A_52 = tpu.memref_slice %arg6[%dma_start3A_48, %dma_start3A_50, %dma_start3A_51] : memref<8x50x64xf32, #tpu.memory_space<vmem>> -> memref<1x50x64xf32, #tpu.memory_space<vmem>>
    %dma_start3A_53 = tpu.memref_squeeze %dma_start3A_52 : memref<1x50x64xf32, #tpu.memory_space<vmem>> -> memref<50x64xf32, #tpu.memory_space<vmem>>
    %dma_start3A_54 = arith.constant 0 : i32
    %dma_start3A_55 = tpu.memref_slice %arg5[%dma_start3A_47, %dma_start3A_54] : memref<128x50xi32, #tpu.memory_space<vmem>> -> memref<1x50xi32, #tpu.memory_space<vmem>>
    %dma_start3A_56 = tpu.memref_squeeze %dma_start3A_55 : memref<1x50xi32, #tpu.memory_space<vmem>> -> memref<50xi32, #tpu.memory_space<vmem>>
    %dma_start3A_57 = arith.constant 0 : i32
    %dma_start3A_58 = arith.constant 0 : i32
    %dma_start3A_59 = tpu.memref_slice %arg3[%dma_start3A_57, %dma_start3A_58] : memref<1000000x64xf32, #tpu.memory_space<hbm>> -> memref<1000000x64xf32, #tpu.memory_space<hbm>>
    %dma_start3A_60 = tpu.memref_slice %arg8[%dma_start3A_49] : memref<8x!tpu.dma_semaphore, #tpu.memory_space<semaphore_mem>> -> memref<1x!tpu.dma_semaphore, #tpu.memory_space<semaphore_mem>>
    %dma_start3A_61 = tpu.memref_squeeze %dma_start3A_60 : memref<1x!tpu.dma_semaphore, #tpu.memory_space<semaphore_mem>> -> memref<!tpu.dma_semaphore, #tpu.memory_space<semaphore_mem>>
    tpu.enqueue_indirect_dma source(%dma_start3A_59 : memref<1000000x64xf32, #tpu.memory_space<hbm>>) target(%dma_start3A_53 : memref<50x64xf32, #tpu.memory_space<vmem>>) offsets(%dma_start3A_56 : memref<50xi32, #tpu.memory_space<vmem>>) semaphore(%dma_start3A_61 : memref<!tpu.dma_semaphore, #tpu.memory_space<semaphore_mem>>)
    %dma_start3A_62 = arith.constant 4 : i32
    %dma_start3A_63 = arith.constant 4 : i32
    %dma_start3A_64 = arith.constant 4 : i32
    %dma_start3A_65 = arith.constant 0 : i32
    %dma_start3A_66 = arith.constant 0 : i32
    %dma_start3A_67 = tpu.memref_slice %arg6[%dma_start3A_63, %dma_start3A_65, %dma_start3A_66] : memref<8x50x64xf32, #tpu.memory_space<vmem>> -> memref<1x50x64xf32, #tpu.memory_space<vmem>>
    %dma_start3A_68 = tpu.memref_squeeze %dma_start3A_67 : memref<1x50x64xf32, #tpu.memory_space<vmem>> -> memref<50x64xf32, #tpu.memory_space<vmem>>
    %dma_start3A_69 = arith.constant 0 : i32
    %dma_start3A_70 = tpu.memref_slice %arg5[%dma_start3A_62, %dma_start3A_69] : memref<128x50xi32, #tpu.memory_space<vmem>> -> memref<1x50xi32, #tpu.memory_space<vmem>>
    %dma_start3A_71 = tpu.memref_squeeze %dma_start3A_70 : memref<1x50xi32, #tpu.memory_space<vmem>> -> memref<50xi32, #tpu.memory_space<vmem>>
    %dma_start3A_72 = arith.constant 0 : i32
    %dma_start3A_73 = arith.constant 0 : i32
    %dma_start3A_74 = tpu.memref_slice %arg3[%dma_start3A_72, %dma_start3A_73] : memref<1000000x64xf32, #tpu.memory_space<hbm>> -> memref<1000000x64xf32, #tpu.memory_space<hbm>>
    %dma_start3A_75 = tpu.memref_slice %arg8[%dma_start3A_64] : memref<8x!tpu.dma_semaphore, #tpu.memory_space<semaphore_mem>> -> memref<1x!tpu.dma_semaphore, #tpu.memory_space<semaphore_mem>>
    %dma_start3A_76 = tpu.memref_squeeze %dma_start3A_75 : memref<1x!tpu.dma_semaphore, #tpu.memory_space<semaphore_mem>> -> memref<!tpu.dma_semaphore, #tpu.memory_space<semaphore_mem>>
    tpu.enqueue_indirect_dma source(%dma_start3A_74 : memref<1000000x64xf32, #tpu.memory_space<hbm>>) target(%dma_start3A_68 : memref<50x64xf32, #tpu.memory_space<vmem>>) offsets(%dma_start3A_71 : memref<50xi32, #tpu.memory_space<vmem>>) semaphore(%dma_start3A_76 : memref<!tpu.dma_semaphore, #tpu.memory_space<semaphore_mem>>)
    %dma_start3A_77 = arith.constant 5 : i32
    %dma_start3A_78 = arith.constant 5 : i32
    %dma_start3A_79 = arith.constant 5 : i32
    %dma_start3A_80 = arith.constant 0 : i32
    %dma_start3A_81 = arith.constant 0 : i32
    %dma_start3A_82 = tpu.memref_slice %arg6[%dma_start3A_78, %dma_start3A_80, %dma_start3A_81] : memref<8x50x64xf32, #tpu.memory_space<vmem>> -> memref<1x50x64xf32, #tpu.memory_space<vmem>>
    %dma_start3A_83 = tpu.memref_squeeze %dma_start3A_82 : memref<1x50x64xf32, #tpu.memory_space<vmem>> -> memref<50x64xf32, #tpu.memory_space<vmem>>
    %dma_start3A_84 = arith.constant 0 : i32
    %dma_start3A_85 = tpu.memref_slice %arg5[%dma_start3A_77, %dma_start3A_84] : memref<128x50xi32, #tpu.memory_space<vmem>> -> memref<1x50xi32, #tpu.memory_space<vmem>>
    %dma_start3A_86 = tpu.memref_squeeze %dma_start3A_85 : memref<1x50xi32, #tpu.memory_space<vmem>> -> memref<50xi32, #tpu.memory_space<vmem>>
    %dma_start3A_87 = arith.constant 0 : i32
    %dma_start3A_88 = arith.constant 0 : i32
    %dma_start3A_89 = tpu.memref_slice %arg3[%dma_start3A_87, %dma_start3A_88] : memref<1000000x64xf32, #tpu.memory_space<hbm>> -> memref<1000000x64xf32, #tpu.memory_space<hbm>>
    %dma_start3A_90 = tpu.memref_slice %arg8[%dma_start3A_79] : memref<8x!tpu.dma_semaphore, #tpu.memory_space<semaphore_mem>> -> memref<1x!tpu.dma_semaphore, #tpu.memory_space<semaphore_mem>>
    %dma_start3A_91 = tpu.memref_squeeze %dma_start3A_90 : memref<1x!tpu.dma_semaphore, #tpu.memory_space<semaphore_mem>> -> memref<!tpu.dma_semaphore, #tpu.memory_space<semaphore_mem>>
    tpu.enqueue_indirect_dma source(%dma_start3A_89 : memref<1000000x64xf32, #tpu.memory_space<hbm>>) target(%dma_start3A_83 : memref<50x64xf32, #tpu.memory_space<vmem>>) offsets(%dma_start3A_86 : memref<50xi32, #tpu.memory_space<vmem>>) semaphore(%dma_start3A_91 : memref<!tpu.dma_semaphore, #tpu.memory_space<semaphore_mem>>)
    %dma_start3A_92 = arith.constant 6 : i32
    %dma_start3A_93 = arith.constant 6 : i32
    %dma_start3A_94 = arith.constant 6 : i32
    %dma_start3A_95 = arith.constant 0 : i32
    %dma_start3A_96 = arith.constant 0 : i32
    %dma_start3A_97 = tpu.memref_slice %arg6[%dma_start3A_93, %dma_start3A_95, %dma_start3A_96] : memref<8x50x64xf32, #tpu.memory_space<vmem>> -> memref<1x50x64xf32, #tpu.memory_space<vmem>>
    %dma_start3A_98 = tpu.memref_squeeze %dma_start3A_97 : memref<1x50x64xf32, #tpu.memory_space<vmem>> -> memref<50x64xf32, #tpu.memory_space<vmem>>
    %dma_start3A_99 = arith.constant 0 : i32
    %dma_start3A_100 = tpu.memref_slice %arg5[%dma_start3A_92, %dma_start3A_99] : memref<128x50xi32, #tpu.memory_space<vmem>> -> memref<1x50xi32, #tpu.memory_space<vmem>>
    %dma_start3A_101 = tpu.memref_squeeze %dma_start3A_100 : memref<1x50xi32, #tpu.memory_space<vmem>> -> memref<50xi32, #tpu.memory_space<vmem>>
    %dma_start3A_102 = arith.constant 0 : i32
    %dma_start3A_103 = arith.constant 0 : i32
    %dma_start3A_104 = tpu.memref_slice %arg3[%dma_start3A_102, %dma_start3A_103] : memref<1000000x64xf32, #tpu.memory_space<hbm>> -> memref<1000000x64xf32, #tpu.memory_space<hbm>>
    %dma_start3A_105 = tpu.memref_slice %arg8[%dma_start3A_94] : memref<8x!tpu.dma_semaphore, #tpu.memory_space<semaphore_mem>> -> memref<1x!tpu.dma_semaphore, #tpu.memory_space<semaphore_mem>>
    %dma_start3A_106 = tpu.memref_squeeze %dma_start3A_105 : memref<1x!tpu.dma_semaphore, #tpu.memory_space<semaphore_mem>> -> memref<!tpu.dma_semaphore, #tpu.memory_space<semaphore_mem>>
    tpu.enqueue_indirect_dma source(%dma_start3A_104 : memref<1000000x64xf32, #tpu.memory_space<hbm>>) target(%dma_start3A_98 : memref<50x64xf32, #tpu.memory_space<vmem>>) offsets(%dma_start3A_101 : memref<50xi32, #tpu.memory_space<vmem>>) semaphore(%dma_start3A_106 : memref<!tpu.dma_semaphore, #tpu.memory_space<semaphore_mem>>)
    %dma_start3A_107 = arith.constant 7 : i32
    %dma_start3A_108 = arith.constant 7 : i32
    %dma_start3A_109 = arith.constant 7 : i32
    %dma_start3A_110 = arith.constant 0 : i32
    %dma_start3A_111 = arith.constant 0 : i32
    %dma_start3A_112 = tpu.memref_slice %arg6[%dma_start3A_108, %dma_start3A_110, %dma_start3A_111] : memref<8x50x64xf32, #tpu.memory_space<vmem>> -> memref<1x50x64xf32, #tpu.memory_space<vmem>>
    %dma_start3A_113 = tpu.memref_squeeze %dma_start3A_112 : memref<1x50x64xf32, #tpu.memory_space<vmem>> -> memref<50x64xf32, #tpu.memory_space<vmem>>
    %dma_start3A_114 = arith.constant 0 : i32
    %dma_start3A_115 = tpu.memref_slice %arg5[%dma_start3A_107, %dma_start3A_114] : memref<128x50xi32, #tpu.memory_space<vmem>> -> memref<1x50xi32, #tpu.memory_space<vmem>>
    %dma_start3A_116 = tpu.memref_squeeze %dma_start3A_115 : memref<1x50xi32, #tpu.memory_space<vmem>> -> memref<50xi32, #tpu.memory_space<vmem>>
    %dma_start3A_117 = arith.constant 0 : i32
    %dma_start3A_118 = arith.constant 0 : i32
    %dma_start3A_119 = tpu.memref_slice %arg3[%dma_start3A_117, %dma_start3A_118] : memref<1000000x64xf32, #tpu.memory_space<hbm>> -> memref<1000000x64xf32, #tpu.memory_space<hbm>>
    %dma_start3A_120 = tpu.memref_slice %arg8[%dma_start3A_109] : memref<8x!tpu.dma_semaphore, #tpu.memory_space<semaphore_mem>> -> memref<1x!tpu.dma_semaphore, #tpu.memory_space<semaphore_mem>>
    %dma_start3A_121 = tpu.memref_squeeze %dma_start3A_120 : memref<1x!tpu.dma_semaphore, #tpu.memory_space<semaphore_mem>> -> memref<!tpu.dma_semaphore, #tpu.memory_space<semaphore_mem>>
    tpu.enqueue_indirect_dma source(%dma_start3A_119 : memref<1000000x64xf32, #tpu.memory_space<hbm>>) target(%dma_start3A_113 : memref<50x64xf32, #tpu.memory_space<vmem>>) offsets(%dma_start3A_116 : memref<50xi32, #tpu.memory_space<vmem>>) semaphore(%dma_start3A_121 : memref<!tpu.dma_semaphore, #tpu.memory_space<semaphore_mem>>)
    %scan3A = arith.constant 0 : i32
    %scan3A_122 = arith.constant 0 : i32
    %scan3A_123 = arith.constant 16 : i32
    %scan3A_124 = arith.addi %scan3A_122, %scan3A_123 : i32
    %scan3A_125 = arith.constant 1 : i32
    scf.for %scan3A_127 = %scan3A_122 to %scan3A_124 step %scan3A_125  : i32 {
      %mul3A_128 = arith.constant 8 : i32
      %mul3A_129 = arith.muli %scan3A_127, %mul3A_128 : i32
      %add3A_130 = arith.constant 0 : i32
      %add3A_131 = arith.addi %mul3A_129, %add3A_130 : i32
      %dma_wait3A = arith.constant 0 : i32
      %dma_wait3A_132 = arith.constant 0 : i32
      %dma_wait3A_133 = arith.constant 0 : i32
      %dma_wait3A_134 = arith.constant 0 : i32
      %dma_wait3A_135 = arith.constant 0 : i32
      %dma_wait3A_136 = tpu.memref_slice %arg6[%dma_wait3A_132, %dma_wait3A_134, %dma_wait3A_135] : memref<8x50x64xf32, #tpu.memory_space<vmem>> -> memref<1x50x64xf32, #tpu.memory_space<vmem>>
      %dma_wait3A_137 = tpu.memref_squeeze %dma_wait3A_136 : memref<1x50x64xf32, #tpu.memory_space<vmem>> -> memref<50x64xf32, #tpu.memory_space<vmem>>
      %dma_wait3A_138 = arith.constant 0 : i32
      %dma_wait3A_139 = tpu.memref_slice %arg5[%dma_wait3A, %dma_wait3A_138] : memref<128x50xi32, #tpu.memory_space<vmem>> -> memref<1x50xi32, #tpu.memory_space<vmem>>
      %dma_wait3A_140 = tpu.memref_squeeze %dma_wait3A_139 : memref<1x50xi32, #tpu.memory_space<vmem>> -> memref<50xi32, #tpu.memory_space<vmem>>
      %dma_wait3A_141 = arith.constant 0 : i32
      %dma_wait3A_142 = arith.constant 0 : i32
      %dma_wait3A_143 = tpu.memref_slice %arg3[%dma_wait3A_141, %dma_wait3A_142] : memref<1000000x64xf32, #tpu.memory_space<hbm>> -> memref<1000000x64xf32, #tpu.memory_space<hbm>>
      %dma_wait3A_144 = tpu.memref_slice %arg8[%dma_wait3A_133] : memref<8x!tpu.dma_semaphore, #tpu.memory_space<semaphore_mem>> -> memref<1x!tpu.dma_semaphore, #tpu.memory_space<semaphore_mem>>
      %dma_wait3A_145 = tpu.memref_squeeze %dma_wait3A_144 : memref<1x!tpu.dma_semaphore, #tpu.memory_space<semaphore_mem>> -> memref<!tpu.dma_semaphore, #tpu.memory_space<semaphore_mem>>
      tpu.wait_indirect_dma semaphore(%dma_wait3A_145 : memref<!tpu.dma_semaphore, #tpu.memory_space<semaphore_mem>>) src(%dma_wait3A_143 : memref<1000000x64xf32, #tpu.memory_space<hbm>>) dst(%dma_wait3A_137 : memref<50x64xf32, #tpu.memory_space<vmem>>)
      %broadcast_in_dim3A = arith.constant 0.000000e+00 : f32
      %broadcast_in_dim3A_146 = vector.broadcast %broadcast_in_dim3A : f32 to vector<16xf32>
      %scan3A_147 = arith.constant 0 : i32
      %scan3A_148 = arith.constant 0 : i32
      %scan3A_149 = arith.constant 25 : i32
      %scan3A_150 = arith.addi %scan3A_148, %scan3A_149 : i32
      %scan3A_151 = arith.constant 1 : i32
      %scan3A_152:4 = scf.for %scan3A_644 = %scan3A_148 to %scan3A_150 step %scan3A_151 iter_args(%scan3A_645 = %broadcast_in_dim3A_146, %scan3A_646 = %broadcast_in_dim3A_146, %scan3A_647 = %broadcast_in_dim3A_146, %scan3A_648 = %broadcast_in_dim3A_146) -> (vector<16xf32>, vector<16xf32>, vector<16xf32>, vector<16xf32>)  : i32 {
        %mul3A_649 = arith.constant 2 : i32
        %mul3A_650 = arith.muli %mul3A_649, %scan3A_644 : i32
        %get3A = arith.constant 0 : i32
        %get3A_651 = arith.constant 0 : i32
        %get3A_652 = tpu.memref_slice %arg6[%scan3A_147, %get3A, %get3A_651] : memref<8x50x64xf32, #tpu.memory_space<vmem>> -> memref<1x50x64xf32, #tpu.memory_space<vmem>>
        %get3A_653 = tpu.memref_squeeze %get3A_652 : memref<1x50x64xf32, #tpu.memory_space<vmem>> -> memref<50x64xf32, #tpu.memory_space<vmem>>
        %get3A_654 = arith.index_cast %mul3A_650 : i32 to index
        %get3A_655 = arith.constant 0 : index
        %get3A_656 = tpu.vector_load %get3A_653[%get3A_654, %get3A_655] {strides = array<i32>} : memref<50x64xf32, #tpu.memory_space<vmem>>, vector<1x16xf32>,
        %get3A_657 = vector.shape_cast %get3A_656 : vector<1x16xf32> to vector<16xf32>
        %add3A_658 = arith.addf %scan3A_645, %get3A_657 : vector<16xf32>
        %mul3A_659 = arith.constant 2 : i32
        %mul3A_660 = arith.muli %mul3A_659, %scan3A_644 : i32
        %get3A_661 = arith.constant 0 : i32
        %get3A_662 = arith.constant 0 : i32
        %get3A_663 = tpu.memref_slice %arg6[%scan3A_147, %get3A_661, %get3A_662] : memref<8x50x64xf32, #tpu.memory_space<vmem>> -> memref<1x50x64xf32, #tpu.memory_space<vmem>>
        %get3A_664 = tpu.memref_squeeze %get3A_663 : memref<1x50x64xf32, #tpu.memory_space<vmem>> -> memref<50x64xf32, #tpu.memory_space<vmem>>
        %get3A_665 = arith.index_cast %mul3A_660 : i32 to index
        %get3A_666 = arith.constant 16 : index
        %get3A_667 = tpu.vector_load %get3A_664[%get3A_665, %get3A_666] {strides = array<i32>} : memref<50x64xf32, #tpu.memory_space<vmem>>, vector<1x16xf32>,
        %get3A_668 = vector.shape_cast %get3A_667 : vector<1x16xf32> to vector<16xf32>
        %add3A_669 = arith.addf %scan3A_646, %get3A_668 : vector<16xf32>
        %mul3A_670 = arith.constant 2 : i32
        %mul3A_671 = arith.muli %mul3A_670, %scan3A_644 : i32
        %get3A_672 = arith.constant 0 : i32
        %get3A_673 = arith.constant 0 : i32
        %get3A_674 = tpu.memref_slice %arg6[%scan3A_147, %get3A_672, %get3A_673] : memref<8x50x64xf32, #tpu.memory_space<vmem>> -> memref<1x50x64xf32, #tpu.memory_space<vmem>>
        %get3A_675 = tpu.memref_squeeze %get3A_674 : memref<1x50x64xf32, #tpu.memory_space<vmem>> -> memref<50x64xf32, #tpu.memory_space<vmem>>
        %get3A_676 = arith.index_cast %mul3A_671 : i32 to index
        %get3A_677 = arith.constant 32 : index
        %get3A_678 = tpu.vector_load %get3A_675[%get3A_676, %get3A_677] {strides = array<i32>} : memref<50x64xf32, #tpu.memory_space<vmem>>, vector<1x16xf32>,
        %get3A_679 = vector.shape_cast %get3A_678 : vector<1x16xf32> to vector<16xf32>
        %add3A_680 = arith.addf %scan3A_647, %get3A_679 : vector<16xf32>
        %mul3A_681 = arith.constant 2 : i32
        %mul3A_682 = arith.muli %mul3A_681, %scan3A_644 : i32
        %get3A_683 = arith.constant 0 : i32
        %get3A_684 = arith.constant 0 : i32
        %get3A_685 = tpu.memref_slice %arg6[%scan3A_147, %get3A_683, %get3A_684] : memref<8x50x64xf32, #tpu.memory_space<vmem>> -> memref<1x50x64xf32, #tpu.memory_space<vmem>>
        %get3A_686 = tpu.memref_squeeze %get3A_685 : memref<1x50x64xf32, #tpu.memory_space<vmem>> -> memref<50x64xf32, #tpu.memory_space<vmem>>
        %get3A_687 = arith.index_cast %mul3A_682 : i32 to index
        %get3A_688 = arith.constant 48 : index
        %get3A_689 = tpu.vector_load %get3A_686[%get3A_687, %get3A_688] {strides = array<i32>} : memref<50x64xf32, #tpu.memory_space<vmem>>, vector<1x16xf32>,
        %get3A_690 = vector.shape_cast %get3A_689 : vector<1x16xf32> to vector<16xf32>
        %add3A_691 = arith.addf %scan3A_648, %get3A_690 : vector<16xf32>
        %mul3A_692 = arith.constant 2 : i32
        %mul3A_693 = arith.muli %mul3A_692, %scan3A_644 : i32
        %add3A_694 = arith.constant 1 : i32
        %add3A_695 = arith.addi %mul3A_693, %add3A_694 : i32
        %get3A_696 = arith.constant 0 : i32
        %get3A_697 = arith.constant 0 : i32
        %get3A_698 = tpu.memref_slice %arg6[%scan3A_147, %get3A_696, %get3A_697] : memref<8x50x64xf32, #tpu.memory_space<vmem>> -> memref<1x50x64xf32, #tpu.memory_space<vmem>>
        %get3A_699 = tpu.memref_squeeze %get3A_698 : memref<1x50x64xf32, #tpu.memory_space<vmem>> -> memref<50x64xf32, #tpu.memory_space<vmem>>
        %get3A_700 = arith.index_cast %add3A_695 : i32 to index
        %get3A_701 = arith.constant 0 : index
        %get3A_702 = tpu.vector_load %get3A_699[%get3A_700, %get3A_701] {strides = array<i32>} : memref<50x64xf32, #tpu.memory_space<vmem>>, vector<1x16xf32>,
        %get3A_703 = vector.shape_cast %get3A_702 : vector<1x16xf32> to vector<16xf32>
        %add3A_704 = arith.addf %add3A_658, %get3A_703 : vector<16xf32>
        %mul3A_705 = arith.constant 2 : i32
        %mul3A_706 = arith.muli %mul3A_705, %scan3A_644 : i32
        %add3A_707 = arith.constant 1 : i32
        %add3A_708 = arith.addi %mul3A_706, %add3A_707 : i32
        %get3A_709 = arith.constant 0 : i32
        %get3A_710 = arith.constant 0 : i32
        %get3A_711 = tpu.memref_slice %arg6[%scan3A_147, %get3A_709, %get3A_710] : memref<8x50x64xf32, #tpu.memory_space<vmem>> -> memref<1x50x64xf32, #tpu.memory_space<vmem>>
        %get3A_712 = tpu.memref_squeeze %get3A_711 : memref<1x50x64xf32, #tpu.memory_space<vmem>> -> memref<50x64xf32, #tpu.memory_space<vmem>>
        %get3A_713 = arith.index_cast %add3A_708 : i32 to index
        %get3A_714 = arith.constant 16 : index
        %get3A_715 = tpu.vector_load %get3A_712[%get3A_713, %get3A_714] {strides = array<i32>} : memref<50x64xf32, #tpu.memory_space<vmem>>, vector<1x16xf32>,
        %get3A_716 = vector.shape_cast %get3A_715 : vector<1x16xf32> to vector<16xf32>
        %add3A_717 = arith.addf %add3A_669, %get3A_716 : vector<16xf32>
        %mul3A_718 = arith.constant 2 : i32
        %mul3A_719 = arith.muli %mul3A_718, %scan3A_644 : i32
        %add3A_720 = arith.constant 1 : i32
        %add3A_721 = arith.addi %mul3A_719, %add3A_720 : i32
        %get3A_722 = arith.constant 0 : i32
        %get3A_723 = arith.constant 0 : i32
        %get3A_724 = tpu.memref_slice %arg6[%scan3A_147, %get3A_722, %get3A_723] : memref<8x50x64xf32, #tpu.memory_space<vmem>> -> memref<1x50x64xf32, #tpu.memory_space<vmem>>
        %get3A_725 = tpu.memref_squeeze %get3A_724 : memref<1x50x64xf32, #tpu.memory_space<vmem>> -> memref<50x64xf32, #tpu.memory_space<vmem>>
        %get3A_726 = arith.index_cast %add3A_721 : i32 to index
        %get3A_727 = arith.constant 32 : index
        %get3A_728 = tpu.vector_load %get3A_725[%get3A_726, %get3A_727] {strides = array<i32>} : memref<50x64xf32, #tpu.memory_space<vmem>>, vector<1x16xf32>,
        %get3A_729 = vector.shape_cast %get3A_728 : vector<1x16xf32> to vector<16xf32>
        %add3A_730 = arith.addf %add3A_680, %get3A_729 : vector<16xf32>
        %mul3A_731 = arith.constant 2 : i32
        %mul3A_732 = arith.muli %mul3A_731, %scan3A_644 : i32
        %add3A_733 = arith.constant 1 : i32
        %add3A_734 = arith.addi %mul3A_732, %add3A_733 : i32
        %get3A_735 = arith.constant 0 : i32
        %get3A_736 = arith.constant 0 : i32
        %get3A_737 = tpu.memref_slice %arg6[%scan3A_147, %get3A_735, %get3A_736] : memref<8x50x64xf32, #tpu.memory_space<vmem>> -> memref<1x50x64xf32, #tpu.memory_space<vmem>>
        %get3A_738 = tpu.memref_squeeze %get3A_737 : memref<1x50x64xf32, #tpu.memory_space<vmem>> -> memref<50x64xf32, #tpu.memory_space<vmem>>
        %get3A_739 = arith.index_cast %add3A_734 : i32 to index
        %get3A_740 = arith.constant 48 : index
        %get3A_741 = tpu.vector_load %get3A_738[%get3A_739, %get3A_740] {strides = array<i32>} : memref<50x64xf32, #tpu.memory_space<vmem>>, vector<1x16xf32>,
        %get3A_742 = vector.shape_cast %get3A_741 : vector<1x16xf32> to vector<16xf32>
        %add3A_743 = arith.addf %add3A_691, %get3A_742 : vector<16xf32>
        scf.yield %add3A_704, %add3A_717, %add3A_730, %add3A_743 : vector<16xf32>, vector<16xf32>, vector<16xf32>, vector<16xf32>
      }
      %scan3A_153 = arith.constant 25 : i32
      %add3A_154 = arith.constant 8 : i32
      %add3A_155 = arith.addi %add3A_131, %add3A_154 : i32
      %lt3A = arith.constant 128 : i32
      %lt3A_156 = arith.cmpi slt, %add3A_155, %lt3A : i32
      %convert_element_type3A = arith.extui %lt3A_156 : i1 to i32
      %cond3A = arith.constant 0 : i32
      %cond3A_157 = arith.cmpi ne, %convert_element_type3A, %cond3A : i32
      scf.if %cond3A_157 {
        %dma_start3A_644 = arith.constant 0 : i32
        %dma_start3A_645 = arith.constant 0 : i32
        %dma_start3A_646 = arith.constant 0 : i32
        %dma_start3A_647 = arith.constant 0 : i32
        %dma_start3A_648 = tpu.memref_slice %arg6[%dma_start3A_644, %dma_start3A_646, %dma_start3A_647] : memref<8x50x64xf32, #tpu.memory_space<vmem>> -> memref<1x50x64xf32, #tpu.memory_space<vmem>>
        %dma_start3A_649 = tpu.memref_squeeze %dma_start3A_648 : memref<1x50x64xf32, #tpu.memory_space<vmem>> -> memref<50x64xf32, #tpu.memory_space<vmem>>
        %dma_start3A_650 = arith.constant 0 : i32
        %dma_start3A_651 = tpu.memref_slice %arg5[%add3A_155, %dma_start3A_650] : memref<128x50xi32, #tpu.memory_space<vmem>> -> memref<1x50xi32, #tpu.memory_space<vmem>>
        %dma_start3A_652 = tpu.memref_squeeze %dma_start3A_651 : memref<1x50xi32, #tpu.memory_space<vmem>> -> memref<50xi32, #tpu.memory_space<vmem>>
        %dma_start3A_653 = arith.constant 0 : i32
        %dma_start3A_654 = arith.constant 0 : i32
        %dma_start3A_655 = tpu.memref_slice %arg3[%dma_start3A_653, %dma_start3A_654] : memref<1000000x64xf32, #tpu.memory_space<hbm>> -> memref<1000000x64xf32, #tpu.memory_space<hbm>>
        %dma_start3A_656 = tpu.memref_slice %arg8[%dma_start3A_645] : memref<8x!tpu.dma_semaphore, #tpu.memory_space<semaphore_mem>> -> memref<1x!tpu.dma_semaphore, #tpu.memory_space<semaphore_mem>>
        %dma_start3A_657 = tpu.memref_squeeze %dma_start3A_656 : memref<1x!tpu.dma_semaphore, #tpu.memory_space<semaphore_mem>> -> memref<!tpu.dma_semaphore, #tpu.memory_space<semaphore_mem>>
        tpu.enqueue_indirect_dma source(%dma_start3A_655 : memref<1000000x64xf32, #tpu.memory_space<hbm>>) target(%dma_start3A_649 : memref<50x64xf32, #tpu.memory_space<vmem>>) offsets(%dma_start3A_652 : memref<50xi32, #tpu.memory_space<vmem>>) semaphore(%dma_start3A_657 : memref<!tpu.dma_semaphore, #tpu.memory_space<semaphore_mem>>)
      } else {
      }
      %mul3A_158 = arith.constant 2.000000e-02 : f32
      %mul3A_159 = vector.broadcast %mul3A_158 : f32 to vector<16xf32>
      %mul3A_160 = arith.mulf %scan3A_152#0, %mul3A_159 : vector<16xf32>
      %swap3A = arith.index_cast %add3A_131 : i32 to index
      %swap3A_161 = arith.constant 0 : index
      %swap3A_162 = tpu.vector_load %arg7[%swap3A, %swap3A_161] {strides = array<i32>} : memref<128x64xf32, #tpu.memory_space<vmem>>, vector<1x16xf32>,
      %swap3A_163 = vector.shape_cast %swap3A_162 : vector<1x16xf32> to vector<16xf32>
      %swap3A_164 = vector.shape_cast %mul3A_160 : vector<16xf32> to vector<1x16xf32>
      tpu.vector_store %arg7[%swap3A, %swap3A_161], %swap3A_164 {strides = array<i32>} : memref<128x64xf32, #tpu.memory_space<vmem>>, vector<1x16xf32>,
      %mul3A_165 = arith.constant 2.000000e-02 : f32
      %mul3A_166 = vector.broadcast %mul3A_165 : f32 to vector<16xf32>
      %mul3A_167 = arith.mulf %scan3A_152#1, %mul3A_166 : vector<16xf32>
      %swap3A_168 = arith.index_cast %add3A_131 : i32 to index
      %swap3A_169 = arith.constant 16 : index
      %swap3A_170 = tpu.vector_load %arg7[%swap3A_168, %swap3A_169] {strides = array<i32>} : memref<128x64xf32, #tpu.memory_space<vmem>>, vector<1x16xf32>,
      %swap3A_171 = vector.shape_cast %swap3A_170 : vector<1x16xf32> to vector<16xf32>
      %swap3A_172 = vector.shape_cast %mul3A_167 : vector<16xf32> to vector<1x16xf32>
      tpu.vector_store %arg7[%swap3A_168, %swap3A_169], %swap3A_172 {strides = array<i32>} : memref<128x64xf32, #tpu.memory_space<vmem>>, vector<1x16xf32>,
      %mul3A_173 = arith.constant 2.000000e-02 : f32
      %mul3A_174 = vector.broadcast %mul3A_173 : f32 to vector<16xf32>
      %mul3A_175 = arith.mulf %scan3A_152#2, %mul3A_174 : vector<16xf32>
      %swap3A_176 = arith.index_cast %add3A_131 : i32 to index
      %swap3A_177 = arith.constant 32 : index
      %swap3A_178 = tpu.vector_load %arg7[%swap3A_176, %swap3A_177] {strides = array<i32>} : memref<128x64xf32, #tpu.memory_space<vmem>>, vector<1x16xf32>,
      %swap3A_179 = vector.shape_cast %swap3A_178 : vector<1x16xf32> to vector<16xf32>
      %swap3A_180 = vector.shape_cast %mul3A_175 : vector<16xf32> to vector<1x16xf32>
      tpu.vector_store %arg7[%swap3A_176, %swap3A_177], %swap3A_180 {strides = array<i32>} : memref<128x64xf32, #tpu.memory_space<vmem>>, vector<1x16xf32>,
      %mul3A_181 = arith.constant 2.000000e-02 : f32
      %mul3A_182 = vector.broadcast %mul3A_181 : f32 to vector<16xf32>
      %mul3A_183 = arith.mulf %scan3A_152#3, %mul3A_182 : vector<16xf32>
      %swap3A_184 = arith.index_cast %add3A_131 : i32 to index
      %swap3A_185 = arith.constant 48 : index
      %swap3A_186 = tpu.vector_load %arg7[%swap3A_184, %swap3A_185] {strides = array<i32>} : memref<128x64xf32, #tpu.memory_space<vmem>>, vector<1x16xf32>,
      %swap3A_187 = vector.shape_cast %swap3A_186 : vector<1x16xf32> to vector<16xf32>
      %swap3A_188 = vector.shape_cast %mul3A_183 : vector<16xf32> to vector<1x16xf32>
      tpu.vector_store %arg7[%swap3A_184, %swap3A_185], %swap3A_188 {strides = array<i32>} : memref<128x64xf32, #tpu.memory_space<vmem>>, vector<1x16xf32>,
      %add3A_189 = arith.constant 1 : i32
      %add3A_190 = arith.addi %mul3A_129, %add3A_189 : i32
      %dma_wait3A_191 = arith.constant 0 : i32
      %dma_wait3A_192 = arith.constant 1 : i32
      %dma_wait3A_193 = arith.constant 1 : i32
      %dma_wait3A_194 = arith.constant 0 : i32
      %dma_wait3A_195 = arith.constant 0 : i32
      %dma_wait3A_196 = tpu.memref_slice %arg6[%dma_wait3A_192, %dma_wait3A_194, %dma_wait3A_195] : memref<8x50x64xf32, #tpu.memory_space<vmem>> -> memref<1x50x64xf32, #tpu.memory_space<vmem>>
      %dma_wait3A_197 = tpu.memref_squeeze %dma_wait3A_196 : memref<1x50x64xf32, #tpu.memory_space<vmem>> -> memref<50x64xf32, #tpu.memory_space<vmem>>
      %dma_wait3A_198 = arith.constant 0 : i32
      %dma_wait3A_199 = tpu.memref_slice %arg5[%dma_wait3A_191, %dma_wait3A_198] : memref<128x50xi32, #tpu.memory_space<vmem>> -> memref<1x50xi32, #tpu.memory_space<vmem>>
      %dma_wait3A_200 = tpu.memref_squeeze %dma_wait3A_199 : memref<1x50xi32, #tpu.memory_space<vmem>> -> memref<50xi32, #tpu.memory_space<vmem>>
      %dma_wait3A_201 = arith.constant 0 : i32
      %dma_wait3A_202 = arith.constant 0 : i32
      %dma_wait3A_203 = tpu.memref_slice %arg3[%dma_wait3A_201, %dma_wait3A_202] : memref<1000000x64xf32, #tpu.memory_space<hbm>> -> memref<1000000x64xf32, #tpu.memory_space<hbm>>
      %dma_wait3A_204 = tpu.memref_slice %arg8[%dma_wait3A_193] : memref<8x!tpu.dma_semaphore, #tpu.memory_space<semaphore_mem>> -> memref<1x!tpu.dma_semaphore, #tpu.memory_space<semaphore_mem>>
      %dma_wait3A_205 = tpu.memref_squeeze %dma_wait3A_204 : memref<1x!tpu.dma_semaphore, #tpu.memory_space<semaphore_mem>> -> memref<!tpu.dma_semaphore, #tpu.memory_space<semaphore_mem>>
      tpu.wait_indirect_dma semaphore(%dma_wait3A_205 : memref<!tpu.dma_semaphore, #tpu.memory_space<semaphore_mem>>) src(%dma_wait3A_203 : memref<1000000x64xf32, #tpu.memory_space<hbm>>) dst(%dma_wait3A_197 : memref<50x64xf32, #tpu.memory_space<vmem>>)
      %broadcast_in_dim3A_206 = arith.constant 0.000000e+00 : f32
      %broadcast_in_dim3A_207 = vector.broadcast %broadcast_in_dim3A_206 : f32 to vector<16xf32>
      %scan3A_208 = arith.constant 1 : i32
      %scan3A_209 = arith.constant 0 : i32
      %scan3A_210 = arith.constant 25 : i32
      %scan3A_211 = arith.addi %scan3A_209, %scan3A_210 : i32
      %scan3A_212 = arith.constant 1 : i32
      %scan3A_213:4 = scf.for %scan3A_644 = %scan3A_209 to %scan3A_211 step %scan3A_212 iter_args(%scan3A_645 = %broadcast_in_dim3A_207, %scan3A_646 = %broadcast_in_dim3A_207, %scan3A_647 = %broadcast_in_dim3A_207, %scan3A_648 = %broadcast_in_dim3A_207) -> (vector<16xf32>, vector<16xf32>, vector<16xf32>, vector<16xf32>)  : i32 {
        %mul3A_649 = arith.constant 2 : i32
        %mul3A_650 = arith.muli %mul3A_649, %scan3A_644 : i32
        %get3A = arith.constant 0 : i32
        %get3A_651 = arith.constant 0 : i32
        %get3A_652 = tpu.memref_slice %arg6[%scan3A_208, %get3A, %get3A_651] : memref<8x50x64xf32, #tpu.memory_space<vmem>> -> memref<1x50x64xf32, #tpu.memory_space<vmem>>
        %get3A_653 = tpu.memref_squeeze %get3A_652 : memref<1x50x64xf32, #tpu.memory_space<vmem>> -> memref<50x64xf32, #tpu.memory_space<vmem>>
        %get3A_654 = arith.index_cast %mul3A_650 : i32 to index
        %get3A_655 = arith.constant 0 : index
        %get3A_656 = tpu.vector_load %get3A_653[%get3A_654, %get3A_655] {strides = array<i32>} : memref<50x64xf32, #tpu.memory_space<vmem>>, vector<1x16xf32>,
        %get3A_657 = vector.shape_cast %get3A_656 : vector<1x16xf32> to vector<16xf32>
        %add3A_658 = arith.addf %scan3A_645, %get3A_657 : vector<16xf32>
        %mul3A_659 = arith.constant 2 : i32
        %mul3A_660 = arith.muli %mul3A_659, %scan3A_644 : i32
        %get3A_661 = arith.constant 0 : i32
        %get3A_662 = arith.constant 0 : i32
        %get3A_663 = tpu.memref_slice %arg6[%scan3A_208, %get3A_661, %get3A_662] : memref<8x50x64xf32, #tpu.memory_space<vmem>> -> memref<1x50x64xf32, #tpu.memory_space<vmem>>
        %get3A_664 = tpu.memref_squeeze %get3A_663 : memref<1x50x64xf32, #tpu.memory_space<vmem>> -> memref<50x64xf32, #tpu.memory_space<vmem>>
        %get3A_665 = arith.index_cast %mul3A_660 : i32 to index
        %get3A_666 = arith.constant 16 : index
        %get3A_667 = tpu.vector_load %get3A_664[%get3A_665, %get3A_666] {strides = array<i32>} : memref<50x64xf32, #tpu.memory_space<vmem>>, vector<1x16xf32>,
        %get3A_668 = vector.shape_cast %get3A_667 : vector<1x16xf32> to vector<16xf32>
        %add3A_669 = arith.addf %scan3A_646, %get3A_668 : vector<16xf32>
        %mul3A_670 = arith.constant 2 : i32
        %mul3A_671 = arith.muli %mul3A_670, %scan3A_644 : i32
        %get3A_672 = arith.constant 0 : i32
        %get3A_673 = arith.constant 0 : i32
        %get3A_674 = tpu.memref_slice %arg6[%scan3A_208, %get3A_672, %get3A_673] : memref<8x50x64xf32, #tpu.memory_space<vmem>> -> memref<1x50x64xf32, #tpu.memory_space<vmem>>
        %get3A_675 = tpu.memref_squeeze %get3A_674 : memref<1x50x64xf32, #tpu.memory_space<vmem>> -> memref<50x64xf32, #tpu.memory_space<vmem>>
        %get3A_676 = arith.index_cast %mul3A_671 : i32 to index
        %get3A_677 = arith.constant 32 : index
        %get3A_678 = tpu.vector_load %get3A_675[%get3A_676, %get3A_677] {strides = array<i32>} : memref<50x64xf32, #tpu.memory_space<vmem>>, vector<1x16xf32>,
        %get3A_679 = vector.shape_cast %get3A_678 : vector<1x16xf32> to vector<16xf32>
        %add3A_680 = arith.addf %scan3A_647, %get3A_679 : vector<16xf32>
        %mul3A_681 = arith.constant 2 : i32
        %mul3A_682 = arith.muli %mul3A_681, %scan3A_644 : i32
        %get3A_683 = arith.constant 0 : i32
        %get3A_684 = arith.constant 0 : i32
        %get3A_685 = tpu.memref_slice %arg6[%scan3A_208, %get3A_683, %get3A_684] : memref<8x50x64xf32, #tpu.memory_space<vmem>> -> memref<1x50x64xf32, #tpu.memory_space<vmem>>
        %get3A_686 = tpu.memref_squeeze %get3A_685 : memref<1x50x64xf32, #tpu.memory_space<vmem>> -> memref<50x64xf32, #tpu.memory_space<vmem>>
        %get3A_687 = arith.index_cast %mul3A_682 : i32 to index
        %get3A_688 = arith.constant 48 : index
        %get3A_689 = tpu.vector_load %get3A_686[%get3A_687, %get3A_688] {strides = array<i32>} : memref<50x64xf32, #tpu.memory_space<vmem>>, vector<1x16xf32>,
        %get3A_690 = vector.shape_cast %get3A_689 : vector<1x16xf32> to vector<16xf32>
        %add3A_691 = arith.addf %scan3A_648, %get3A_690 : vector<16xf32>
        %mul3A_692 = arith.constant 2 : i32
        %mul3A_693 = arith.muli %mul3A_692, %scan3A_644 : i32
        %add3A_694 = arith.constant 1 : i32
        %add3A_695 = arith.addi %mul3A_693, %add3A_694 : i32
        %get3A_696 = arith.constant 0 : i32
        %get3A_697 = arith.constant 0 : i32
        %get3A_698 = tpu.memref_slice %arg6[%scan3A_208, %get3A_696, %get3A_697] : memref<8x50x64xf32, #tpu.memory_space<vmem>> -> memref<1x50x64xf32, #tpu.memory_space<vmem>>
        %get3A_699 = tpu.memref_squeeze %get3A_698 : memref<1x50x64xf32, #tpu.memory_space<vmem>> -> memref<50x64xf32, #tpu.memory_space<vmem>>
        %get3A_700 = arith.index_cast %add3A_695 : i32 to index
        %get3A_701 = arith.constant 0 : index
        %get3A_702 = tpu.vector_load %get3A_699[%get3A_700, %get3A_701] {strides = array<i32>} : memref<50x64xf32, #tpu.memory_space<vmem>>, vector<1x16xf32>,
        %get3A_703 = vector.shape_cast %get3A_702 : vector<1x16xf32> to vector<16xf32>
        %add3A_704 = arith.addf %add3A_658, %get3A_703 : vector<16xf32>
        %mul3A_705 = arith.constant 2 : i32
        %mul3A_706 = arith.muli %mul3A_705, %scan3A_644 : i32
        %add3A_707 = arith.constant 1 : i32
        %add3A_708 = arith.addi %mul3A_706, %add3A_707 : i32
        %get3A_709 = arith.constant 0 : i32
        %get3A_710 = arith.constant 0 : i32
        %get3A_711 = tpu.memref_slice %arg6[%scan3A_208, %get3A_709, %get3A_710] : memref<8x50x64xf32, #tpu.memory_space<vmem>> -> memref<1x50x64xf32, #tpu.memory_space<vmem>>
        %get3A_712 = tpu.memref_squeeze %get3A_711 : memref<1x50x64xf32, #tpu.memory_space<vmem>> -> memref<50x64xf32, #tpu.memory_space<vmem>>
        %get3A_713 = arith.index_cast %add3A_708 : i32 to index
        %get3A_714 = arith.constant 16 : index
        %get3A_715 = tpu.vector_load %get3A_712[%get3A_713, %get3A_714] {strides = array<i32>} : memref<50x64xf32, #tpu.memory_space<vmem>>, vector<1x16xf32>,
        %get3A_716 = vector.shape_cast %get3A_715 : vector<1x16xf32> to vector<16xf32>
        %add3A_717 = arith.addf %add3A_669, %get3A_716 : vector<16xf32>
        %mul3A_718 = arith.constant 2 : i32
        %mul3A_719 = arith.muli %mul3A_718, %scan3A_644 : i32
        %add3A_720 = arith.constant 1 : i32
        %add3A_721 = arith.addi %mul3A_719, %add3A_720 : i32
        %get3A_722 = arith.constant 0 : i32
        %get3A_723 = arith.constant 0 : i32
        %get3A_724 = tpu.memref_slice %arg6[%scan3A_208, %get3A_722, %get3A_723] : memref<8x50x64xf32, #tpu.memory_space<vmem>> -> memref<1x50x64xf32, #tpu.memory_space<vmem>>
        %get3A_725 = tpu.memref_squeeze %get3A_724 : memref<1x50x64xf32, #tpu.memory_space<vmem>> -> memref<50x64xf32, #tpu.memory_space<vmem>>
        %get3A_726 = arith.index_cast %add3A_721 : i32 to index
        %get3A_727 = arith.constant 32 : index
        %get3A_728 = tpu.vector_load %get3A_725[%get3A_726, %get3A_727] {strides = array<i32>} : memref<50x64xf32, #tpu.memory_space<vmem>>, vector<1x16xf32>,
        %get3A_729 = vector.shape_cast %get3A_728 : vector<1x16xf32> to vector<16xf32>
        %add3A_730 = arith.addf %add3A_680, %get3A_729 : vector<16xf32>
        %mul3A_731 = arith.constant 2 : i32
        %mul3A_732 = arith.muli %mul3A_731, %scan3A_644 : i32
        %add3A_733 = arith.constant 1 : i32
        %add3A_734 = arith.addi %mul3A_732, %add3A_733 : i32
        %get3A_735 = arith.constant 0 : i32
        %get3A_736 = arith.constant 0 : i32
        %get3A_737 = tpu.memref_slice %arg6[%scan3A_208, %get3A_735, %get3A_736] : memref<8x50x64xf32, #tpu.memory_space<vmem>> -> memref<1x50x64xf32, #tpu.memory_space<vmem>>
        %get3A_738 = tpu.memref_squeeze %get3A_737 : memref<1x50x64xf32, #tpu.memory_space<vmem>> -> memref<50x64xf32, #tpu.memory_space<vmem>>
        %get3A_739 = arith.index_cast %add3A_734 : i32 to index
        %get3A_740 = arith.constant 48 : index
        %get3A_741 = tpu.vector_load %get3A_738[%get3A_739, %get3A_740] {strides = array<i32>} : memref<50x64xf32, #tpu.memory_space<vmem>>, vector<1x16xf32>,
        %get3A_742 = vector.shape_cast %get3A_741 : vector<1x16xf32> to vector<16xf32>
        %add3A_743 = arith.addf %add3A_691, %get3A_742 : vector<16xf32>
        scf.yield %add3A_704, %add3A_717, %add3A_730, %add3A_743 : vector<16xf32>, vector<16xf32>, vector<16xf32>, vector<16xf32>
      }
      %scan3A_214 = arith.constant 25 : i32
      %add3A_215 = arith.constant 8 : i32
      %add3A_216 = arith.addi %add3A_190, %add3A_215 : i32
      %lt3A_217 = arith.constant 128 : i32
      %lt3A_218 = arith.cmpi slt, %add3A_216, %lt3A_217 : i32
      %convert_element_type3A_219 = arith.extui %lt3A_218 : i1 to i32
      %cond3A_220 = arith.constant 0 : i32
      %cond3A_221 = arith.cmpi ne, %convert_element_type3A_219, %cond3A_220 : i32
      scf.if %cond3A_221 {
        %dma_start3A_644 = arith.constant 1 : i32
        %dma_start3A_645 = arith.constant 1 : i32
        %dma_start3A_646 = arith.constant 0 : i32
        %dma_start3A_647 = arith.constant 0 : i32
        %dma_start3A_648 = tpu.memref_slice %arg6[%dma_start3A_644, %dma_start3A_646, %dma_start3A_647] : memref<8x50x64xf32, #tpu.memory_space<vmem>> -> memref<1x50x64xf32, #tpu.memory_space<vmem>>
        %dma_start3A_649 = tpu.memref_squeeze %dma_start3A_648 : memref<1x50x64xf32, #tpu.memory_space<vmem>> -> memref<50x64xf32, #tpu.memory_space<vmem>>
        %dma_start3A_650 = arith.constant 0 : i32
        %dma_start3A_651 = tpu.memref_slice %arg5[%add3A_216, %dma_start3A_650] : memref<128x50xi32, #tpu.memory_space<vmem>> -> memref<1x50xi32, #tpu.memory_space<vmem>>
        %dma_start3A_652 = tpu.memref_squeeze %dma_start3A_651 : memref<1x50xi32, #tpu.memory_space<vmem>> -> memref<50xi32, #tpu.memory_space<vmem>>
        %dma_start3A_653 = arith.constant 0 : i32
        %dma_start3A_654 = arith.constant 0 : i32
        %dma_start3A_655 = tpu.memref_slice %arg3[%dma_start3A_653, %dma_start3A_654] : memref<1000000x64xf32, #tpu.memory_space<hbm>> -> memref<1000000x64xf32, #tpu.memory_space<hbm>>
        %dma_start3A_656 = tpu.memref_slice %arg8[%dma_start3A_645] : memref<8x!tpu.dma_semaphore, #tpu.memory_space<semaphore_mem>> -> memref<1x!tpu.dma_semaphore, #tpu.memory_space<semaphore_mem>>
        %dma_start3A_657 = tpu.memref_squeeze %dma_start3A_656 : memref<1x!tpu.dma_semaphore, #tpu.memory_space<semaphore_mem>> -> memref<!tpu.dma_semaphore, #tpu.memory_space<semaphore_mem>>
        tpu.enqueue_indirect_dma source(%dma_start3A_655 : memref<1000000x64xf32, #tpu.memory_space<hbm>>) target(%dma_start3A_649 : memref<50x64xf32, #tpu.memory_space<vmem>>) offsets(%dma_start3A_652 : memref<50xi32, #tpu.memory_space<vmem>>) semaphore(%dma_start3A_657 : memref<!tpu.dma_semaphore, #tpu.memory_space<semaphore_mem>>)
      } else {
      }
      %mul3A_222 = arith.constant 2.000000e-02 : f32
      %mul3A_223 = vector.broadcast %mul3A_222 : f32 to vector<16xf32>
      %mul3A_224 = arith.mulf %scan3A_213#0, %mul3A_223 : vector<16xf32>
      %swap3A_225 = arith.index_cast %add3A_190 : i32 to index
      %swap3A_226 = arith.constant 0 : index
      %swap3A_227 = tpu.vector_load %arg7[%swap3A_225, %swap3A_226] {strides = array<i32>} : memref<128x64xf32, #tpu.memory_space<vmem>>, vector<1x16xf32>,
      %swap3A_228 = vector.shape_cast %swap3A_227 : vector<1x16xf32> to vector<16xf32>
      %swap3A_229 = vector.shape_cast %mul3A_224 : vector<16xf32> to vector<1x16xf32>
      tpu.vector_store %arg7[%swap3A_225, %swap3A_226], %swap3A_229 {strides = array<i32>} : memref<128x64xf32, #tpu.memory_space<vmem>>, vector<1x16xf32>,
      %mul3A_230 = arith.constant 2.000000e-02 : f32
      %mul3A_231 = vector.broadcast %mul3A_230 : f32 to vector<16xf32>
      %mul3A_232 = arith.mulf %scan3A_213#1, %mul3A_231 : vector<16xf32>
      %swap3A_233 = arith.index_cast %add3A_190 : i32 to index
      %swap3A_234 = arith.constant 16 : index
      %swap3A_235 = tpu.vector_load %arg7[%swap3A_233, %swap3A_234] {strides = array<i32>} : memref<128x64xf32, #tpu.memory_space<vmem>>, vector<1x16xf32>,
      %swap3A_236 = vector.shape_cast %swap3A_235 : vector<1x16xf32> to vector<16xf32>
      %swap3A_237 = vector.shape_cast %mul3A_232 : vector<16xf32> to vector<1x16xf32>
      tpu.vector_store %arg7[%swap3A_233, %swap3A_234], %swap3A_237 {strides = array<i32>} : memref<128x64xf32, #tpu.memory_space<vmem>>, vector<1x16xf32>,
      %mul3A_238 = arith.constant 2.000000e-02 : f32
      %mul3A_239 = vector.broadcast %mul3A_238 : f32 to vector<16xf32>
      %mul3A_240 = arith.mulf %scan3A_213#2, %mul3A_239 : vector<16xf32>
      %swap3A_241 = arith.index_cast %add3A_190 : i32 to index
      %swap3A_242 = arith.constant 32 : index
      %swap3A_243 = tpu.vector_load %arg7[%swap3A_241, %swap3A_242] {strides = array<i32>} : memref<128x64xf32, #tpu.memory_space<vmem>>, vector<1x16xf32>,
      %swap3A_244 = vector.shape_cast %swap3A_243 : vector<1x16xf32> to vector<16xf32>
      %swap3A_245 = vector.shape_cast %mul3A_240 : vector<16xf32> to vector<1x16xf32>
      tpu.vector_store %arg7[%swap3A_241, %swap3A_242], %swap3A_245 {strides = array<i32>} : memref<128x64xf32, #tpu.memory_space<vmem>>, vector<1x16xf32>,
      %mul3A_246 = arith.constant 2.000000e-02 : f32
      %mul3A_247 = vector.broadcast %mul3A_246 : f32 to vector<16xf32>
      %mul3A_248 = arith.mulf %scan3A_213#3, %mul3A_247 : vector<16xf32>
      %swap3A_249 = arith.index_cast %add3A_190 : i32 to index
      %swap3A_250 = arith.constant 48 : index
      %swap3A_251 = tpu.vector_load %arg7[%swap3A_249, %swap3A_250] {strides = array<i32>} : memref<128x64xf32, #tpu.memory_space<vmem>>, vector<1x16xf32>,
      %swap3A_252 = vector.shape_cast %swap3A_251 : vector<1x16xf32> to vector<16xf32>
      %swap3A_253 = vector.shape_cast %mul3A_248 : vector<16xf32> to vector<1x16xf32>
      tpu.vector_store %arg7[%swap3A_249, %swap3A_250], %swap3A_253 {strides = array<i32>} : memref<128x64xf32, #tpu.memory_space<vmem>>, vector<1x16xf32>,
      %add3A_254 = arith.constant 2 : i32
      %add3A_255 = arith.addi %mul3A_129, %add3A_254 : i32
      %dma_wait3A_256 = arith.constant 0 : i32
      %dma_wait3A_257 = arith.constant 2 : i32
      %dma_wait3A_258 = arith.constant 2 : i32
      %dma_wait3A_259 = arith.constant 0 : i32
      %dma_wait3A_260 = arith.constant 0 : i32
      %dma_wait3A_261 = tpu.memref_slice %arg6[%dma_wait3A_257, %dma_wait3A_259, %dma_wait3A_260] : memref<8x50x64xf32, #tpu.memory_space<vmem>> -> memref<1x50x64xf32, #tpu.memory_space<vmem>>
      %dma_wait3A_262 = tpu.memref_squeeze %dma_wait3A_261 : memref<1x50x64xf32, #tpu.memory_space<vmem>> -> memref<50x64xf32, #tpu.memory_space<vmem>>
      %dma_wait3A_263 = arith.constant 0 : i32
      %dma_wait3A_264 = tpu.memref_slice %arg5[%dma_wait3A_256, %dma_wait3A_263] : memref<128x50xi32, #tpu.memory_space<vmem>> -> memref<1x50xi32, #tpu.memory_space<vmem>>
      %dma_wait3A_265 = tpu.memref_squeeze %dma_wait3A_264 : memref<1x50xi32, #tpu.memory_space<vmem>> -> memref<50xi32, #tpu.memory_space<vmem>>
      %dma_wait3A_266 = arith.constant 0 : i32
      %dma_wait3A_267 = arith.constant 0 : i32
      %dma_wait3A_268 = tpu.memref_slice %arg3[%dma_wait3A_266, %dma_wait3A_267] : memref<1000000x64xf32, #tpu.memory_space<hbm>> -> memref<1000000x64xf32, #tpu.memory_space<hbm>>
      %dma_wait3A_269 = tpu.memref_slice %arg8[%dma_wait3A_258] : memref<8x!tpu.dma_semaphore, #tpu.memory_space<semaphore_mem>> -> memref<1x!tpu.dma_semaphore, #tpu.memory_space<semaphore_mem>>
      %dma_wait3A_270 = tpu.memref_squeeze %dma_wait3A_269 : memref<1x!tpu.dma_semaphore, #tpu.memory_space<semaphore_mem>> -> memref<!tpu.dma_semaphore, #tpu.memory_space<semaphore_mem>>
      tpu.wait_indirect_dma semaphore(%dma_wait3A_270 : memref<!tpu.dma_semaphore, #tpu.memory_space<semaphore_mem>>) src(%dma_wait3A_268 : memref<1000000x64xf32, #tpu.memory_space<hbm>>) dst(%dma_wait3A_262 : memref<50x64xf32, #tpu.memory_space<vmem>>)
      %broadcast_in_dim3A_271 = arith.constant 0.000000e+00 : f32
      %broadcast_in_dim3A_272 = vector.broadcast %broadcast_in_dim3A_271 : f32 to vector<16xf32>
      %scan3A_273 = arith.constant 2 : i32
      %scan3A_274 = arith.constant 0 : i32
      %scan3A_275 = arith.constant 25 : i32
      %scan3A_276 = arith.addi %scan3A_274, %scan3A_275 : i32
      %scan3A_277 = arith.constant 1 : i32
      %scan3A_278:4 = scf.for %scan3A_644 = %scan3A_274 to %scan3A_276 step %scan3A_277 iter_args(%scan3A_645 = %broadcast_in_dim3A_272, %scan3A_646 = %broadcast_in_dim3A_272, %scan3A_647 = %broadcast_in_dim3A_272, %scan3A_648 = %broadcast_in_dim3A_272) -> (vector<16xf32>, vector<16xf32>, vector<16xf32>, vector<16xf32>)  : i32 {
        %mul3A_649 = arith.constant 2 : i32
        %mul3A_650 = arith.muli %mul3A_649, %scan3A_644 : i32
        %get3A = arith.constant 0 : i32
        %get3A_651 = arith.constant 0 : i32
        %get3A_652 = tpu.memref_slice %arg6[%scan3A_273, %get3A, %get3A_651] : memref<8x50x64xf32, #tpu.memory_space<vmem>> -> memref<1x50x64xf32, #tpu.memory_space<vmem>>
        %get3A_653 = tpu.memref_squeeze %get3A_652 : memref<1x50x64xf32, #tpu.memory_space<vmem>> -> memref<50x64xf32, #tpu.memory_space<vmem>>
        %get3A_654 = arith.index_cast %mul3A_650 : i32 to index
        %get3A_655 = arith.constant 0 : index
        %get3A_656 = tpu.vector_load %get3A_653[%get3A_654, %get3A_655] {strides = array<i32>} : memref<50x64xf32, #tpu.memory_space<vmem>>, vector<1x16xf32>,
        %get3A_657 = vector.shape_cast %get3A_656 : vector<1x16xf32> to vector<16xf32>
        %add3A_658 = arith.addf %scan3A_645, %get3A_657 : vector<16xf32>
        %mul3A_659 = arith.constant 2 : i32
        %mul3A_660 = arith.muli %mul3A_659, %scan3A_644 : i32
        %get3A_661 = arith.constant 0 : i32
        %get3A_662 = arith.constant 0 : i32
        %get3A_663 = tpu.memref_slice %arg6[%scan3A_273, %get3A_661, %get3A_662] : memref<8x50x64xf32, #tpu.memory_space<vmem>> -> memref<1x50x64xf32, #tpu.memory_space<vmem>>
        %get3A_664 = tpu.memref_squeeze %get3A_663 : memref<1x50x64xf32, #tpu.memory_space<vmem>> -> memref<50x64xf32, #tpu.memory_space<vmem>>
        %get3A_665 = arith.index_cast %mul3A_660 : i32 to index
        %get3A_666 = arith.constant 16 : index
        %get3A_667 = tpu.vector_load %get3A_664[%get3A_665, %get3A_666] {strides = array<i32>} : memref<50x64xf32, #tpu.memory_space<vmem>>, vector<1x16xf32>,
        %get3A_668 = vector.shape_cast %get3A_667 : vector<1x16xf32> to vector<16xf32>
        %add3A_669 = arith.addf %scan3A_646, %get3A_668 : vector<16xf32>
        %mul3A_670 = arith.constant 2 : i32
        %mul3A_671 = arith.muli %mul3A_670, %scan3A_644 : i32
        %get3A_672 = arith.constant 0 : i32
        %get3A_673 = arith.constant 0 : i32
        %get3A_674 = tpu.memref_slice %arg6[%scan3A_273, %get3A_672, %get3A_673] : memref<8x50x64xf32, #tpu.memory_space<vmem>> -> memref<1x50x64xf32, #tpu.memory_space<vmem>>
        %get3A_675 = tpu.memref_squeeze %get3A_674 : memref<1x50x64xf32, #tpu.memory_space<vmem>> -> memref<50x64xf32, #tpu.memory_space<vmem>>
        %get3A_676 = arith.index_cast %mul3A_671 : i32 to index
        %get3A_677 = arith.constant 32 : index
        %get3A_678 = tpu.vector_load %get3A_675[%get3A_676, %get3A_677] {strides = array<i32>} : memref<50x64xf32, #tpu.memory_space<vmem>>, vector<1x16xf32>,
        %get3A_679 = vector.shape_cast %get3A_678 : vector<1x16xf32> to vector<16xf32>
        %add3A_680 = arith.addf %scan3A_647, %get3A_679 : vector<16xf32>
        %mul3A_681 = arith.constant 2 : i32
        %mul3A_682 = arith.muli %mul3A_681, %scan3A_644 : i32
        %get3A_683 = arith.constant 0 : i32
        %get3A_684 = arith.constant 0 : i32
        %get3A_685 = tpu.memref_slice %arg6[%scan3A_273, %get3A_683, %get3A_684] : memref<8x50x64xf32, #tpu.memory_space<vmem>> -> memref<1x50x64xf32, #tpu.memory_space<vmem>>
        %get3A_686 = tpu.memref_squeeze %get3A_685 : memref<1x50x64xf32, #tpu.memory_space<vmem>> -> memref<50x64xf32, #tpu.memory_space<vmem>>
        %get3A_687 = arith.index_cast %mul3A_682 : i32 to index
        %get3A_688 = arith.constant 48 : index
        %get3A_689 = tpu.vector_load %get3A_686[%get3A_687, %get3A_688] {strides = array<i32>} : memref<50x64xf32, #tpu.memory_space<vmem>>, vector<1x16xf32>,
        %get3A_690 = vector.shape_cast %get3A_689 : vector<1x16xf32> to vector<16xf32>
        %add3A_691 = arith.addf %scan3A_648, %get3A_690 : vector<16xf32>
        %mul3A_692 = arith.constant 2 : i32
        %mul3A_693 = arith.muli %mul3A_692, %scan3A_644 : i32
        %add3A_694 = arith.constant 1 : i32
        %add3A_695 = arith.addi %mul3A_693, %add3A_694 : i32
        %get3A_696 = arith.constant 0 : i32
        %get3A_697 = arith.constant 0 : i32
        %get3A_698 = tpu.memref_slice %arg6[%scan3A_273, %get3A_696, %get3A_697] : memref<8x50x64xf32, #tpu.memory_space<vmem>> -> memref<1x50x64xf32, #tpu.memory_space<vmem>>
        %get3A_699 = tpu.memref_squeeze %get3A_698 : memref<1x50x64xf32, #tpu.memory_space<vmem>> -> memref<50x64xf32, #tpu.memory_space<vmem>>
        %get3A_700 = arith.index_cast %add3A_695 : i32 to index
        %get3A_701 = arith.constant 0 : index
        %get3A_702 = tpu.vector_load %get3A_699[%get3A_700, %get3A_701] {strides = array<i32>} : memref<50x64xf32, #tpu.memory_space<vmem>>, vector<1x16xf32>,
        %get3A_703 = vector.shape_cast %get3A_702 : vector<1x16xf32> to vector<16xf32>
        %add3A_704 = arith.addf %add3A_658, %get3A_703 : vector<16xf32>
        %mul3A_705 = arith.constant 2 : i32
        %mul3A_706 = arith.muli %mul3A_705, %scan3A_644 : i32
        %add3A_707 = arith.constant 1 : i32
        %add3A_708 = arith.addi %mul3A_706, %add3A_707 : i32
        %get3A_709 = arith.constant 0 : i32
        %get3A_710 = arith.constant 0 : i32
        %get3A_711 = tpu.memref_slice %arg6[%scan3A_273, %get3A_709, %get3A_710] : memref<8x50x64xf32, #tpu.memory_space<vmem>> -> memref<1x50x64xf32, #tpu.memory_space<vmem>>
        %get3A_712 = tpu.memref_squeeze %get3A_711 : memref<1x50x64xf32, #tpu.memory_space<vmem>> -> memref<50x64xf32, #tpu.memory_space<vmem>>
        %get3A_713 = arith.index_cast %add3A_708 : i32 to index
        %get3A_714 = arith.constant 16 : index
        %get3A_715 = tpu.vector_load %get3A_712[%get3A_713, %get3A_714] {strides = array<i32>} : memref<50x64xf32, #tpu.memory_space<vmem>>, vector<1x16xf32>,
        %get3A_716 = vector.shape_cast %get3A_715 : vector<1x16xf32> to vector<16xf32>
        %add3A_717 = arith.addf %add3A_669, %get3A_716 : vector<16xf32>
        %mul3A_718 = arith.constant 2 : i32
        %mul3A_719 = arith.muli %mul3A_718, %scan3A_644 : i32
        %add3A_720 = arith.constant 1 : i32
        %add3A_721 = arith.addi %mul3A_719, %add3A_720 : i32
        %get3A_722 = arith.constant 0 : i32
        %get3A_723 = arith.constant 0 : i32
        %get3A_724 = tpu.memref_slice %arg6[%scan3A_273, %get3A_722, %get3A_723] : memref<8x50x64xf32, #tpu.memory_space<vmem>> -> memref<1x50x64xf32, #tpu.memory_space<vmem>>
        %get3A_725 = tpu.memref_squeeze %get3A_724 : memref<1x50x64xf32, #tpu.memory_space<vmem>> -> memref<50x64xf32, #tpu.memory_space<vmem>>
        %get3A_726 = arith.index_cast %add3A_721 : i32 to index
        %get3A_727 = arith.constant 32 : index
        %get3A_728 = tpu.vector_load %get3A_725[%get3A_726, %get3A_727] {strides = array<i32>} : memref<50x64xf32, #tpu.memory_space<vmem>>, vector<1x16xf32>,
        %get3A_729 = vector.shape_cast %get3A_728 : vector<1x16xf32> to vector<16xf32>
        %add3A_730 = arith.addf %add3A_680, %get3A_729 : vector<16xf32>
        %mul3A_731 = arith.constant 2 : i32
        %mul3A_732 = arith.muli %mul3A_731, %scan3A_644 : i32
        %add3A_733 = arith.constant 1 : i32
        %add3A_734 = arith.addi %mul3A_732, %add3A_733 : i32
        %get3A_735 = arith.constant 0 : i32
        %get3A_736 = arith.constant 0 : i32
        %get3A_737 = tpu.memref_slice %arg6[%scan3A_273, %get3A_735, %get3A_736] : memref<8x50x64xf32, #tpu.memory_space<vmem>> -> memref<1x50x64xf32, #tpu.memory_space<vmem>>
        %get3A_738 = tpu.memref_squeeze %get3A_737 : memref<1x50x64xf32, #tpu.memory_space<vmem>> -> memref<50x64xf32, #tpu.memory_space<vmem>>
        %get3A_739 = arith.index_cast %add3A_734 : i32 to index
        %get3A_740 = arith.constant 48 : index
        %get3A_741 = tpu.vector_load %get3A_738[%get3A_739, %get3A_740] {strides = array<i32>} : memref<50x64xf32, #tpu.memory_space<vmem>>, vector<1x16xf32>,
        %get3A_742 = vector.shape_cast %get3A_741 : vector<1x16xf32> to vector<16xf32>
        %add3A_743 = arith.addf %add3A_691, %get3A_742 : vector<16xf32>
        scf.yield %add3A_704, %add3A_717, %add3A_730, %add3A_743 : vector<16xf32>, vector<16xf32>, vector<16xf32>, vector<16xf32>
      }
      %scan3A_279 = arith.constant 25 : i32
      %add3A_280 = arith.constant 8 : i32
      %add3A_281 = arith.addi %add3A_255, %add3A_280 : i32
      %lt3A_282 = arith.constant 128 : i32
      %lt3A_283 = arith.cmpi slt, %add3A_281, %lt3A_282 : i32
      %convert_element_type3A_284 = arith.extui %lt3A_283 : i1 to i32
      %cond3A_285 = arith.constant 0 : i32
      %cond3A_286 = arith.cmpi ne, %convert_element_type3A_284, %cond3A_285 : i32
      scf.if %cond3A_286 {
        %dma_start3A_644 = arith.constant 2 : i32
        %dma_start3A_645 = arith.constant 2 : i32
        %dma_start3A_646 = arith.constant 0 : i32
        %dma_start3A_647 = arith.constant 0 : i32
        %dma_start3A_648 = tpu.memref_slice %arg6[%dma_start3A_644, %dma_start3A_646, %dma_start3A_647] : memref<8x50x64xf32, #tpu.memory_space<vmem>> -> memref<1x50x64xf32, #tpu.memory_space<vmem>>
        %dma_start3A_649 = tpu.memref_squeeze %dma_start3A_648 : memref<1x50x64xf32, #tpu.memory_space<vmem>> -> memref<50x64xf32, #tpu.memory_space<vmem>>
        %dma_start3A_650 = arith.constant 0 : i32
        %dma_start3A_651 = tpu.memref_slice %arg5[%add3A_281, %dma_start3A_650] : memref<128x50xi32, #tpu.memory_space<vmem>> -> memref<1x50xi32, #tpu.memory_space<vmem>>
        %dma_start3A_652 = tpu.memref_squeeze %dma_start3A_651 : memref<1x50xi32, #tpu.memory_space<vmem>> -> memref<50xi32, #tpu.memory_space<vmem>>
        %dma_start3A_653 = arith.constant 0 : i32
        %dma_start3A_654 = arith.constant 0 : i32
        %dma_start3A_655 = tpu.memref_slice %arg3[%dma_start3A_653, %dma_start3A_654] : memref<1000000x64xf32, #tpu.memory_space<hbm>> -> memref<1000000x64xf32, #tpu.memory_space<hbm>>
        %dma_start3A_656 = tpu.memref_slice %arg8[%dma_start3A_645] : memref<8x!tpu.dma_semaphore, #tpu.memory_space<semaphore_mem>> -> memref<1x!tpu.dma_semaphore, #tpu.memory_space<semaphore_mem>>
        %dma_start3A_657 = tpu.memref_squeeze %dma_start3A_656 : memref<1x!tpu.dma_semaphore, #tpu.memory_space<semaphore_mem>> -> memref<!tpu.dma_semaphore, #tpu.memory_space<semaphore_mem>>
        tpu.enqueue_indirect_dma source(%dma_start3A_655 : memref<1000000x64xf32, #tpu.memory_space<hbm>>) target(%dma_start3A_649 : memref<50x64xf32, #tpu.memory_space<vmem>>) offsets(%dma_start3A_652 : memref<50xi32, #tpu.memory_space<vmem>>) semaphore(%dma_start3A_657 : memref<!tpu.dma_semaphore, #tpu.memory_space<semaphore_mem>>)
      } else {
      }
      %mul3A_287 = arith.constant 2.000000e-02 : f32
      %mul3A_288 = vector.broadcast %mul3A_287 : f32 to vector<16xf32>
      %mul3A_289 = arith.mulf %scan3A_278#0, %mul3A_288 : vector<16xf32>
      %swap3A_290 = arith.index_cast %add3A_255 : i32 to index
      %swap3A_291 = arith.constant 0 : index
      %swap3A_292 = tpu.vector_load %arg7[%swap3A_290, %swap3A_291] {strides = array<i32>} : memref<128x64xf32, #tpu.memory_space<vmem>>, vector<1x16xf32>,
      %swap3A_293 = vector.shape_cast %swap3A_292 : vector<1x16xf32> to vector<16xf32>
      %swap3A_294 = vector.shape_cast %mul3A_289 : vector<16xf32> to vector<1x16xf32>
      tpu.vector_store %arg7[%swap3A_290, %swap3A_291], %swap3A_294 {strides = array<i32>} : memref<128x64xf32, #tpu.memory_space<vmem>>, vector<1x16xf32>,
      %mul3A_295 = arith.constant 2.000000e-02 : f32
      %mul3A_296 = vector.broadcast %mul3A_295 : f32 to vector<16xf32>
      %mul3A_297 = arith.mulf %scan3A_278#1, %mul3A_296 : vector<16xf32>
      %swap3A_298 = arith.index_cast %add3A_255 : i32 to index
      %swap3A_299 = arith.constant 16 : index
      %swap3A_300 = tpu.vector_load %arg7[%swap3A_298, %swap3A_299] {strides = array<i32>} : memref<128x64xf32, #tpu.memory_space<vmem>>, vector<1x16xf32>,
      %swap3A_301 = vector.shape_cast %swap3A_300 : vector<1x16xf32> to vector<16xf32>
      %swap3A_302 = vector.shape_cast %mul3A_297 : vector<16xf32> to vector<1x16xf32>
      tpu.vector_store %arg7[%swap3A_298, %swap3A_299], %swap3A_302 {strides = array<i32>} : memref<128x64xf32, #tpu.memory_space<vmem>>, vector<1x16xf32>,
      %mul3A_303 = arith.constant 2.000000e-02 : f32
      %mul3A_304 = vector.broadcast %mul3A_303 : f32 to vector<16xf32>
      %mul3A_305 = arith.mulf %scan3A_278#2, %mul3A_304 : vector<16xf32>
      %swap3A_306 = arith.index_cast %add3A_255 : i32 to index
      %swap3A_307 = arith.constant 32 : index
      %swap3A_308 = tpu.vector_load %arg7[%swap3A_306, %swap3A_307] {strides = array<i32>} : memref<128x64xf32, #tpu.memory_space<vmem>>, vector<1x16xf32>,
      %swap3A_309 = vector.shape_cast %swap3A_308 : vector<1x16xf32> to vector<16xf32>
      %swap3A_310 = vector.shape_cast %mul3A_305 : vector<16xf32> to vector<1x16xf32>
      tpu.vector_store %arg7[%swap3A_306, %swap3A_307], %swap3A_310 {strides = array<i32>} : memref<128x64xf32, #tpu.memory_space<vmem>>, vector<1x16xf32>,
      %mul3A_311 = arith.constant 2.000000e-02 : f32
      %mul3A_312 = vector.broadcast %mul3A_311 : f32 to vector<16xf32>
      %mul3A_313 = arith.mulf %scan3A_278#3, %mul3A_312 : vector<16xf32>
      %swap3A_314 = arith.index_cast %add3A_255 : i32 to index
      %swap3A_315 = arith.constant 48 : index
      %swap3A_316 = tpu.vector_load %arg7[%swap3A_314, %swap3A_315] {strides = array<i32>} : memref<128x64xf32, #tpu.memory_space<vmem>>, vector<1x16xf32>,
      %swap3A_317 = vector.shape_cast %swap3A_316 : vector<1x16xf32> to vector<16xf32>
      %swap3A_318 = vector.shape_cast %mul3A_313 : vector<16xf32> to vector<1x16xf32>
      tpu.vector_store %arg7[%swap3A_314, %swap3A_315], %swap3A_318 {strides = array<i32>} : memref<128x64xf32, #tpu.memory_space<vmem>>, vector<1x16xf32>,
      %add3A_319 = arith.constant 3 : i32
      %add3A_320 = arith.addi %mul3A_129, %add3A_319 : i32
      %dma_wait3A_321 = arith.constant 0 : i32
      %dma_wait3A_322 = arith.constant 3 : i32
      %dma_wait3A_323 = arith.constant 3 : i32
      %dma_wait3A_324 = arith.constant 0 : i32
      %dma_wait3A_325 = arith.constant 0 : i32
      %dma_wait3A_326 = tpu.memref_slice %arg6[%dma_wait3A_322, %dma_wait3A_324, %dma_wait3A_325] : memref<8x50x64xf32, #tpu.memory_space<vmem>> -> memref<1x50x64xf32, #tpu.memory_space<vmem>>
      %dma_wait3A_327 = tpu.memref_squeeze %dma_wait3A_326 : memref<1x50x64xf32, #tpu.memory_space<vmem>> -> memref<50x64xf32, #tpu.memory_space<vmem>>
      %dma_wait3A_328 = arith.constant 0 : i32
      %dma_wait3A_329 = tpu.memref_slice %arg5[%dma_wait3A_321, %dma_wait3A_328] : memref<128x50xi32, #tpu.memory_space<vmem>> -> memref<1x50xi32, #tpu.memory_space<vmem>>
      %dma_wait3A_330 = tpu.memref_squeeze %dma_wait3A_329 : memref<1x50xi32, #tpu.memory_space<vmem>> -> memref<50xi32, #tpu.memory_space<vmem>>
      %dma_wait3A_331 = arith.constant 0 : i32
      %dma_wait3A_332 = arith.constant 0 : i32
      %dma_wait3A_333 = tpu.memref_slice %arg3[%dma_wait3A_331, %dma_wait3A_332] : memref<1000000x64xf32, #tpu.memory_space<hbm>> -> memref<1000000x64xf32, #tpu.memory_space<hbm>>
      %dma_wait3A_334 = tpu.memref_slice %arg8[%dma_wait3A_323] : memref<8x!tpu.dma_semaphore, #tpu.memory_space<semaphore_mem>> -> memref<1x!tpu.dma_semaphore, #tpu.memory_space<semaphore_mem>>
      %dma_wait3A_335 = tpu.memref_squeeze %dma_wait3A_334 : memref<1x!tpu.dma_semaphore, #tpu.memory_space<semaphore_mem>> -> memref<!tpu.dma_semaphore, #tpu.memory_space<semaphore_mem>>
      tpu.wait_indirect_dma semaphore(%dma_wait3A_335 : memref<!tpu.dma_semaphore, #tpu.memory_space<semaphore_mem>>) src(%dma_wait3A_333 : memref<1000000x64xf32, #tpu.memory_space<hbm>>) dst(%dma_wait3A_327 : memref<50x64xf32, #tpu.memory_space<vmem>>)
      %broadcast_in_dim3A_336 = arith.constant 0.000000e+00 : f32
      %broadcast_in_dim3A_337 = vector.broadcast %broadcast_in_dim3A_336 : f32 to vector<16xf32>
      %scan3A_338 = arith.constant 3 : i32
      %scan3A_339 = arith.constant 0 : i32
      %scan3A_340 = arith.constant 25 : i32
      %scan3A_341 = arith.addi %scan3A_339, %scan3A_340 : i32
      %scan3A_342 = arith.constant 1 : i32
      %scan3A_343:4 = scf.for %scan3A_644 = %scan3A_339 to %scan3A_341 step %scan3A_342 iter_args(%scan3A_645 = %broadcast_in_dim3A_337, %scan3A_646 = %broadcast_in_dim3A_337, %scan3A_647 = %broadcast_in_dim3A_337, %scan3A_648 = %broadcast_in_dim3A_337) -> (vector<16xf32>, vector<16xf32>, vector<16xf32>, vector<16xf32>)  : i32 {
        %mul3A_649 = arith.constant 2 : i32
        %mul3A_650 = arith.muli %mul3A_649, %scan3A_644 : i32
        %get3A = arith.constant 0 : i32
        %get3A_651 = arith.constant 0 : i32
        %get3A_652 = tpu.memref_slice %arg6[%scan3A_338, %get3A, %get3A_651] : memref<8x50x64xf32, #tpu.memory_space<vmem>> -> memref<1x50x64xf32, #tpu.memory_space<vmem>>
        %get3A_653 = tpu.memref_squeeze %get3A_652 : memref<1x50x64xf32, #tpu.memory_space<vmem>> -> memref<50x64xf32, #tpu.memory_space<vmem>>
        %get3A_654 = arith.index_cast %mul3A_650 : i32 to index
        %get3A_655 = arith.constant 0 : index
        %get3A_656 = tpu.vector_load %get3A_653[%get3A_654, %get3A_655] {strides = array<i32>} : memref<50x64xf32, #tpu.memory_space<vmem>>, vector<1x16xf32>,
        %get3A_657 = vector.shape_cast %get3A_656 : vector<1x16xf32> to vector<16xf32>
        %add3A_658 = arith.addf %scan3A_645, %get3A_657 : vector<16xf32>
        %mul3A_659 = arith.constant 2 : i32
        %mul3A_660 = arith.muli %mul3A_659, %scan3A_644 : i32
        %get3A_661 = arith.constant 0 : i32
        %get3A_662 = arith.constant 0 : i32
        %get3A_663 = tpu.memref_slice %arg6[%scan3A_338, %get3A_661, %get3A_662] : memref<8x50x64xf32, #tpu.memory_space<vmem>> -> memref<1x50x64xf32, #tpu.memory_space<vmem>>
        %get3A_664 = tpu.memref_squeeze %get3A_663 : memref<1x50x64xf32, #tpu.memory_space<vmem>> -> memref<50x64xf32, #tpu.memory_space<vmem>>
        %get3A_665 = arith.index_cast %mul3A_660 : i32 to index
        %get3A_666 = arith.constant 16 : index
        %get3A_667 = tpu.vector_load %get3A_664[%get3A_665, %get3A_666] {strides = array<i32>} : memref<50x64xf32, #tpu.memory_space<vmem>>, vector<1x16xf32>,
        %get3A_668 = vector.shape_cast %get3A_667 : vector<1x16xf32> to vector<16xf32>
        %add3A_669 = arith.addf %scan3A_646, %get3A_668 : vector<16xf32>
        %mul3A_670 = arith.constant 2 : i32
        %mul3A_671 = arith.muli %mul3A_670, %scan3A_644 : i32
        %get3A_672 = arith.constant 0 : i32
        %get3A_673 = arith.constant 0 : i32
        %get3A_674 = tpu.memref_slice %arg6[%scan3A_338, %get3A_672, %get3A_673] : memref<8x50x64xf32, #tpu.memory_space<vmem>> -> memref<1x50x64xf32, #tpu.memory_space<vmem>>
        %get3A_675 = tpu.memref_squeeze %get3A_674 : memref<1x50x64xf32, #tpu.memory_space<vmem>> -> memref<50x64xf32, #tpu.memory_space<vmem>>
        %get3A_676 = arith.index_cast %mul3A_671 : i32 to index
        %get3A_677 = arith.constant 32 : index
        %get3A_678 = tpu.vector_load %get3A_675[%get3A_676, %get3A_677] {strides = array<i32>} : memref<50x64xf32, #tpu.memory_space<vmem>>, vector<1x16xf32>,
        %get3A_679 = vector.shape_cast %get3A_678 : vector<1x16xf32> to vector<16xf32>
        %add3A_680 = arith.addf %scan3A_647, %get3A_679 : vector<16xf32>
        %mul3A_681 = arith.constant 2 : i32
        %mul3A_682 = arith.muli %mul3A_681, %scan3A_644 : i32
        %get3A_683 = arith.constant 0 : i32
        %get3A_684 = arith.constant 0 : i32
        %get3A_685 = tpu.memref_slice %arg6[%scan3A_338, %get3A_683, %get3A_684] : memref<8x50x64xf32, #tpu.memory_space<vmem>> -> memref<1x50x64xf32, #tpu.memory_space<vmem>>
        %get3A_686 = tpu.memref_squeeze %get3A_685 : memref<1x50x64xf32, #tpu.memory_space<vmem>> -> memref<50x64xf32, #tpu.memory_space<vmem>>
        %get3A_687 = arith.index_cast %mul3A_682 : i32 to index
        %get3A_688 = arith.constant 48 : index
        %get3A_689 = tpu.vector_load %get3A_686[%get3A_687, %get3A_688] {strides = array<i32>} : memref<50x64xf32, #tpu.memory_space<vmem>>, vector<1x16xf32>,
        %get3A_690 = vector.shape_cast %get3A_689 : vector<1x16xf32> to vector<16xf32>
        %add3A_691 = arith.addf %scan3A_648, %get3A_690 : vector<16xf32>
        %mul3A_692 = arith.constant 2 : i32
        %mul3A_693 = arith.muli %mul3A_692, %scan3A_644 : i32
        %add3A_694 = arith.constant 1 : i32
        %add3A_695 = arith.addi %mul3A_693, %add3A_694 : i32
        %get3A_696 = arith.constant 0 : i32
        %get3A_697 = arith.constant 0 : i32
        %get3A_698 = tpu.memref_slice %arg6[%scan3A_338, %get3A_696, %get3A_697] : memref<8x50x64xf32, #tpu.memory_space<vmem>> -> memref<1x50x64xf32, #tpu.memory_space<vmem>>
        %get3A_699 = tpu.memref_squeeze %get3A_698 : memref<1x50x64xf32, #tpu.memory_space<vmem>> -> memref<50x64xf32, #tpu.memory_space<vmem>>
        %get3A_700 = arith.index_cast %add3A_695 : i32 to index
        %get3A_701 = arith.constant 0 : index
        %get3A_702 = tpu.vector_load %get3A_699[%get3A_700, %get3A_701] {strides = array<i32>} : memref<50x64xf32, #tpu.memory_space<vmem>>, vector<1x16xf32>,
        %get3A_703 = vector.shape_cast %get3A_702 : vector<1x16xf32> to vector<16xf32>
        %add3A_704 = arith.addf %add3A_658, %get3A_703 : vector<16xf32>
        %mul3A_705 = arith.constant 2 : i32
        %mul3A_706 = arith.muli %mul3A_705, %scan3A_644 : i32
        %add3A_707 = arith.constant 1 : i32
        %add3A_708 = arith.addi %mul3A_706, %add3A_707 : i32
        %get3A_709 = arith.constant 0 : i32
        %get3A_710 = arith.constant 0 : i32
        %get3A_711 = tpu.memref_slice %arg6[%scan3A_338, %get3A_709, %get3A_710] : memref<8x50x64xf32, #tpu.memory_space<vmem>> -> memref<1x50x64xf32, #tpu.memory_space<vmem>>
        %get3A_712 = tpu.memref_squeeze %get3A_711 : memref<1x50x64xf32, #tpu.memory_space<vmem>> -> memref<50x64xf32, #tpu.memory_space<vmem>>
        %get3A_713 = arith.index_cast %add3A_708 : i32 to index
        %get3A_714 = arith.constant 16 : index
        %get3A_715 = tpu.vector_load %get3A_712[%get3A_713, %get3A_714] {strides = array<i32>} : memref<50x64xf32, #tpu.memory_space<vmem>>, vector<1x16xf32>,
        %get3A_716 = vector.shape_cast %get3A_715 : vector<1x16xf32> to vector<16xf32>
        %add3A_717 = arith.addf %add3A_669, %get3A_716 : vector<16xf32>
        %mul3A_718 = arith.constant 2 : i32
        %mul3A_719 = arith.muli %mul3A_718, %scan3A_644 : i32
        %add3A_720 = arith.constant 1 : i32
        %add3A_721 = arith.addi %mul3A_719, %add3A_720 : i32
        %get3A_722 = arith.constant 0 : i32
        %get3A_723 = arith.constant 0 : i32
        %get3A_724 = tpu.memref_slice %arg6[%scan3A_338, %get3A_722, %get3A_723] : memref<8x50x64xf32, #tpu.memory_space<vmem>> -> memref<1x50x64xf32, #tpu.memory_space<vmem>>
        %get3A_725 = tpu.memref_squeeze %get3A_724 : memref<1x50x64xf32, #tpu.memory_space<vmem>> -> memref<50x64xf32, #tpu.memory_space<vmem>>
        %get3A_726 = arith.index_cast %add3A_721 : i32 to index
        %get3A_727 = arith.constant 32 : index
        %get3A_728 = tpu.vector_load %get3A_725[%get3A_726, %get3A_727] {strides = array<i32>} : memref<50x64xf32, #tpu.memory_space<vmem>>, vector<1x16xf32>,
        %get3A_729 = vector.shape_cast %get3A_728 : vector<1x16xf32> to vector<16xf32>
        %add3A_730 = arith.addf %add3A_680, %get3A_729 : vector<16xf32>
        %mul3A_731 = arith.constant 2 : i32
        %mul3A_732 = arith.muli %mul3A_731, %scan3A_644 : i32
        %add3A_733 = arith.constant 1 : i32
        %add3A_734 = arith.addi %mul3A_732, %add3A_733 : i32
        %get3A_735 = arith.constant 0 : i32
        %get3A_736 = arith.constant 0 : i32
        %get3A_737 = tpu.memref_slice %arg6[%scan3A_338, %get3A_735, %get3A_736] : memref<8x50x64xf32, #tpu.memory_space<vmem>> -> memref<1x50x64xf32, #tpu.memory_space<vmem>>
        %get3A_738 = tpu.memref_squeeze %get3A_737 : memref<1x50x64xf32, #tpu.memory_space<vmem>> -> memref<50x64xf32, #tpu.memory_space<vmem>>
        %get3A_739 = arith.index_cast %add3A_734 : i32 to index
        %get3A_740 = arith.constant 48 : index
        %get3A_741 = tpu.vector_load %get3A_738[%get3A_739, %get3A_740] {strides = array<i32>} : memref<50x64xf32, #tpu.memory_space<vmem>>, vector<1x16xf32>,
        %get3A_742 = vector.shape_cast %get3A_741 : vector<1x16xf32> to vector<16xf32>
        %add3A_743 = arith.addf %add3A_691, %get3A_742 : vector<16xf32>
        scf.yield %add3A_704, %add3A_717, %add3A_730, %add3A_743 : vector<16xf32>, vector<16xf32>, vector<16xf32>, vector<16xf32>
      }
      %scan3A_344 = arith.constant 25 : i32
      %add3A_345 = arith.constant 8 : i32
      %add3A_346 = arith.addi %add3A_320, %add3A_345 : i32
      %lt3A_347 = arith.constant 128 : i32
      %lt3A_348 = arith.cmpi slt, %add3A_346, %lt3A_347 : i32
      %convert_element_type3A_349 = arith.extui %lt3A_348 : i1 to i32
      %cond3A_350 = arith.constant 0 : i32
      %cond3A_351 = arith.cmpi ne, %convert_element_type3A_349, %cond3A_350 : i32
      scf.if %cond3A_351 {
        %dma_start3A_644 = arith.constant 3 : i32
        %dma_start3A_645 = arith.constant 3 : i32
        %dma_start3A_646 = arith.constant 0 : i32
        %dma_start3A_647 = arith.constant 0 : i32
        %dma_start3A_648 = tpu.memref_slice %arg6[%dma_start3A_644, %dma_start3A_646, %dma_start3A_647] : memref<8x50x64xf32, #tpu.memory_space<vmem>> -> memref<1x50x64xf32, #tpu.memory_space<vmem>>
        %dma_start3A_649 = tpu.memref_squeeze %dma_start3A_648 : memref<1x50x64xf32, #tpu.memory_space<vmem>> -> memref<50x64xf32, #tpu.memory_space<vmem>>
        %dma_start3A_650 = arith.constant 0 : i32
        %dma_start3A_651 = tpu.memref_slice %arg5[%add3A_346, %dma_start3A_650] : memref<128x50xi32, #tpu.memory_space<vmem>> -> memref<1x50xi32, #tpu.memory_space<vmem>>
        %dma_start3A_652 = tpu.memref_squeeze %dma_start3A_651 : memref<1x50xi32, #tpu.memory_space<vmem>> -> memref<50xi32, #tpu.memory_space<vmem>>
        %dma_start3A_653 = arith.constant 0 : i32
        %dma_start3A_654 = arith.constant 0 : i32
        %dma_start3A_655 = tpu.memref_slice %arg3[%dma_start3A_653, %dma_start3A_654] : memref<1000000x64xf32, #tpu.memory_space<hbm>> -> memref<1000000x64xf32, #tpu.memory_space<hbm>>
        %dma_start3A_656 = tpu.memref_slice %arg8[%dma_start3A_645] : memref<8x!tpu.dma_semaphore, #tpu.memory_space<semaphore_mem>> -> memref<1x!tpu.dma_semaphore, #tpu.memory_space<semaphore_mem>>
        %dma_start3A_657 = tpu.memref_squeeze %dma_start3A_656 : memref<1x!tpu.dma_semaphore, #tpu.memory_space<semaphore_mem>> -> memref<!tpu.dma_semaphore, #tpu.memory_space<semaphore_mem>>
        tpu.enqueue_indirect_dma source(%dma_start3A_655 : memref<1000000x64xf32, #tpu.memory_space<hbm>>) target(%dma_start3A_649 : memref<50x64xf32, #tpu.memory_space<vmem>>) offsets(%dma_start3A_652 : memref<50xi32, #tpu.memory_space<vmem>>) semaphore(%dma_start3A_657 : memref<!tpu.dma_semaphore, #tpu.memory_space<semaphore_mem>>)
      } else {
      }
      %mul3A_352 = arith.constant 2.000000e-02 : f32
      %mul3A_353 = vector.broadcast %mul3A_352 : f32 to vector<16xf32>
      %mul3A_354 = arith.mulf %scan3A_343#0, %mul3A_353 : vector<16xf32>
      %swap3A_355 = arith.index_cast %add3A_320 : i32 to index
      %swap3A_356 = arith.constant 0 : index
      %swap3A_357 = tpu.vector_load %arg7[%swap3A_355, %swap3A_356] {strides = array<i32>} : memref<128x64xf32, #tpu.memory_space<vmem>>, vector<1x16xf32>,
      %swap3A_358 = vector.shape_cast %swap3A_357 : vector<1x16xf32> to vector<16xf32>
      %swap3A_359 = vector.shape_cast %mul3A_354 : vector<16xf32> to vector<1x16xf32>
      tpu.vector_store %arg7[%swap3A_355, %swap3A_356], %swap3A_359 {strides = array<i32>} : memref<128x64xf32, #tpu.memory_space<vmem>>, vector<1x16xf32>,
      %mul3A_360 = arith.constant 2.000000e-02 : f32
      %mul3A_361 = vector.broadcast %mul3A_360 : f32 to vector<16xf32>
      %mul3A_362 = arith.mulf %scan3A_343#1, %mul3A_361 : vector<16xf32>
      %swap3A_363 = arith.index_cast %add3A_320 : i32 to index
      %swap3A_364 = arith.constant 16 : index
      %swap3A_365 = tpu.vector_load %arg7[%swap3A_363, %swap3A_364] {strides = array<i32>} : memref<128x64xf32, #tpu.memory_space<vmem>>, vector<1x16xf32>,
      %swap3A_366 = vector.shape_cast %swap3A_365 : vector<1x16xf32> to vector<16xf32>
      %swap3A_367 = vector.shape_cast %mul3A_362 : vector<16xf32> to vector<1x16xf32>
      tpu.vector_store %arg7[%swap3A_363, %swap3A_364], %swap3A_367 {strides = array<i32>} : memref<128x64xf32, #tpu.memory_space<vmem>>, vector<1x16xf32>,
      %mul3A_368 = arith.constant 2.000000e-02 : f32
      %mul3A_369 = vector.broadcast %mul3A_368 : f32 to vector<16xf32>
      %mul3A_370 = arith.mulf %scan3A_343#2, %mul3A_369 : vector<16xf32>
      %swap3A_371 = arith.index_cast %add3A_320 : i32 to index
      %swap3A_372 = arith.constant 32 : index
      %swap3A_373 = tpu.vector_load %arg7[%swap3A_371, %swap3A_372] {strides = array<i32>} : memref<128x64xf32, #tpu.memory_space<vmem>>, vector<1x16xf32>,
      %swap3A_374 = vector.shape_cast %swap3A_373 : vector<1x16xf32> to vector<16xf32>
      %swap3A_375 = vector.shape_cast %mul3A_370 : vector<16xf32> to vector<1x16xf32>
      tpu.vector_store %arg7[%swap3A_371, %swap3A_372], %swap3A_375 {strides = array<i32>} : memref<128x64xf32, #tpu.memory_space<vmem>>, vector<1x16xf32>,
      %mul3A_376 = arith.constant 2.000000e-02 : f32
      %mul3A_377 = vector.broadcast %mul3A_376 : f32 to vector<16xf32>
      %mul3A_378 = arith.mulf %scan3A_343#3, %mul3A_377 : vector<16xf32>
      %swap3A_379 = arith.index_cast %add3A_320 : i32 to index
      %swap3A_380 = arith.constant 48 : index
      %swap3A_381 = tpu.vector_load %arg7[%swap3A_379, %swap3A_380] {strides = array<i32>} : memref<128x64xf32, #tpu.memory_space<vmem>>, vector<1x16xf32>,
      %swap3A_382 = vector.shape_cast %swap3A_381 : vector<1x16xf32> to vector<16xf32>
      %swap3A_383 = vector.shape_cast %mul3A_378 : vector<16xf32> to vector<1x16xf32>
      tpu.vector_store %arg7[%swap3A_379, %swap3A_380], %swap3A_383 {strides = array<i32>} : memref<128x64xf32, #tpu.memory_space<vmem>>, vector<1x16xf32>,
      %add3A_384 = arith.constant 4 : i32
      %add3A_385 = arith.addi %mul3A_129, %add3A_384 : i32
      %dma_wait3A_386 = arith.constant 0 : i32
      %dma_wait3A_387 = arith.constant 4 : i32
      %dma_wait3A_388 = arith.constant 4 : i32
      %dma_wait3A_389 = arith.constant 0 : i32
      %dma_wait3A_390 = arith.constant 0 : i32
      %dma_wait3A_391 = tpu.memref_slice %arg6[%dma_wait3A_387, %dma_wait3A_389, %dma_wait3A_390] : memref<8x50x64xf32, #tpu.memory_space<vmem>> -> memref<1x50x64xf32, #tpu.memory_space<vmem>>
      %dma_wait3A_392 = tpu.memref_squeeze %dma_wait3A_391 : memref<1x50x64xf32, #tpu.memory_space<vmem>> -> memref<50x64xf32, #tpu.memory_space<vmem>>
      %dma_wait3A_393 = arith.constant 0 : i32
      %dma_wait3A_394 = tpu.memref_slice %arg5[%dma_wait3A_386, %dma_wait3A_393] : memref<128x50xi32, #tpu.memory_space<vmem>> -> memref<1x50xi32, #tpu.memory_space<vmem>>
      %dma_wait3A_395 = tpu.memref_squeeze %dma_wait3A_394 : memref<1x50xi32, #tpu.memory_space<vmem>> -> memref<50xi32, #tpu.memory_space<vmem>>
      %dma_wait3A_396 = arith.constant 0 : i32
      %dma_wait3A_397 = arith.constant 0 : i32
      %dma_wait3A_398 = tpu.memref_slice %arg3[%dma_wait3A_396, %dma_wait3A_397] : memref<1000000x64xf32, #tpu.memory_space<hbm>> -> memref<1000000x64xf32, #tpu.memory_space<hbm>>
      %dma_wait3A_399 = tpu.memref_slice %arg8[%dma_wait3A_388] : memref<8x!tpu.dma_semaphore, #tpu.memory_space<semaphore_mem>> -> memref<1x!tpu.dma_semaphore, #tpu.memory_space<semaphore_mem>>
      %dma_wait3A_400 = tpu.memref_squeeze %dma_wait3A_399 : memref<1x!tpu.dma_semaphore, #tpu.memory_space<semaphore_mem>> -> memref<!tpu.dma_semaphore, #tpu.memory_space<semaphore_mem>>
      tpu.wait_indirect_dma semaphore(%dma_wait3A_400 : memref<!tpu.dma_semaphore, #tpu.memory_space<semaphore_mem>>) src(%dma_wait3A_398 : memref<1000000x64xf32, #tpu.memory_space<hbm>>) dst(%dma_wait3A_392 : memref<50x64xf32, #tpu.memory_space<vmem>>)
      %broadcast_in_dim3A_401 = arith.constant 0.000000e+00 : f32
      %broadcast_in_dim3A_402 = vector.broadcast %broadcast_in_dim3A_401 : f32 to vector<16xf32>
      %scan3A_403 = arith.constant 4 : i32
      %scan3A_404 = arith.constant 0 : i32
      %scan3A_405 = arith.constant 25 : i32
      %scan3A_406 = arith.addi %scan3A_404, %scan3A_405 : i32
      %scan3A_407 = arith.constant 1 : i32
      %scan3A_408:4 = scf.for %scan3A_644 = %scan3A_404 to %scan3A_406 step %scan3A_407 iter_args(%scan3A_645 = %broadcast_in_dim3A_402, %scan3A_646 = %broadcast_in_dim3A_402, %scan3A_647 = %broadcast_in_dim3A_402, %scan3A_648 = %broadcast_in_dim3A_402) -> (vector<16xf32>, vector<16xf32>, vector<16xf32>, vector<16xf32>)  : i32 {
        %mul3A_649 = arith.constant 2 : i32
        %mul3A_650 = arith.muli %mul3A_649, %scan3A_644 : i32
        %get3A = arith.constant 0 : i32
        %get3A_651 = arith.constant 0 : i32
        %get3A_652 = tpu.memref_slice %arg6[%scan3A_403, %get3A, %get3A_651] : memref<8x50x64xf32, #tpu.memory_space<vmem>> -> memref<1x50x64xf32, #tpu.memory_space<vmem>>
        %get3A_653 = tpu.memref_squeeze %get3A_652 : memref<1x50x64xf32, #tpu.memory_space<vmem>> -> memref<50x64xf32, #tpu.memory_space<vmem>>
        %get3A_654 = arith.index_cast %mul3A_650 : i32 to index
        %get3A_655 = arith.constant 0 : index
        %get3A_656 = tpu.vector_load %get3A_653[%get3A_654, %get3A_655] {strides = array<i32>} : memref<50x64xf32, #tpu.memory_space<vmem>>, vector<1x16xf32>,
        %get3A_657 = vector.shape_cast %get3A_656 : vector<1x16xf32> to vector<16xf32>
        %add3A_658 = arith.addf %scan3A_645, %get3A_657 : vector<16xf32>
        %mul3A_659 = arith.constant 2 : i32
        %mul3A_660 = arith.muli %mul3A_659, %scan3A_644 : i32
        %get3A_661 = arith.constant 0 : i32
        %get3A_662 = arith.constant 0 : i32
        %get3A_663 = tpu.memref_slice %arg6[%scan3A_403, %get3A_661, %get3A_662] : memref<8x50x64xf32, #tpu.memory_space<vmem>> -> memref<1x50x64xf32, #tpu.memory_space<vmem>>
        %get3A_664 = tpu.memref_squeeze %get3A_663 : memref<1x50x64xf32, #tpu.memory_space<vmem>> -> memref<50x64xf32, #tpu.memory_space<vmem>>
        %get3A_665 = arith.index_cast %mul3A_660 : i32 to index
        %get3A_666 = arith.constant 16 : index
        %get3A_667 = tpu.vector_load %get3A_664[%get3A_665, %get3A_666] {strides = array<i32>} : memref<50x64xf32, #tpu.memory_space<vmem>>, vector<1x16xf32>,
        %get3A_668 = vector.shape_cast %get3A_667 : vector<1x16xf32> to vector<16xf32>
        %add3A_669 = arith.addf %scan3A_646, %get3A_668 : vector<16xf32>
        %mul3A_670 = arith.constant 2 : i32
        %mul3A_671 = arith.muli %mul3A_670, %scan3A_644 : i32
        %get3A_672 = arith.constant 0 : i32
        %get3A_673 = arith.constant 0 : i32
        %get3A_674 = tpu.memref_slice %arg6[%scan3A_403, %get3A_672, %get3A_673] : memref<8x50x64xf32, #tpu.memory_space<vmem>> -> memref<1x50x64xf32, #tpu.memory_space<vmem>>
        %get3A_675 = tpu.memref_squeeze %get3A_674 : memref<1x50x64xf32, #tpu.memory_space<vmem>> -> memref<50x64xf32, #tpu.memory_space<vmem>>
        %get3A_676 = arith.index_cast %mul3A_671 : i32 to index
        %get3A_677 = arith.constant 32 : index
        %get3A_678 = tpu.vector_load %get3A_675[%get3A_676, %get3A_677] {strides = array<i32>} : memref<50x64xf32, #tpu.memory_space<vmem>>, vector<1x16xf32>,
        %get3A_679 = vector.shape_cast %get3A_678 : vector<1x16xf32> to vector<16xf32>
        %add3A_680 = arith.addf %scan3A_647, %get3A_679 : vector<16xf32>
        %mul3A_681 = arith.constant 2 : i32
        %mul3A_682 = arith.muli %mul3A_681, %scan3A_644 : i32
        %get3A_683 = arith.constant 0 : i32
        %get3A_684 = arith.constant 0 : i32
        %get3A_685 = tpu.memref_slice %arg6[%scan3A_403, %get3A_683, %get3A_684] : memref<8x50x64xf32, #tpu.memory_space<vmem>> -> memref<1x50x64xf32, #tpu.memory_space<vmem>>
        %get3A_686 = tpu.memref_squeeze %get3A_685 : memref<1x50x64xf32, #tpu.memory_space<vmem>> -> memref<50x64xf32, #tpu.memory_space<vmem>>
        %get3A_687 = arith.index_cast %mul3A_682 : i32 to index
        %get3A_688 = arith.constant 48 : index
        %get3A_689 = tpu.vector_load %get3A_686[%get3A_687, %get3A_688] {strides = array<i32>} : memref<50x64xf32, #tpu.memory_space<vmem>>, vector<1x16xf32>,
        %get3A_690 = vector.shape_cast %get3A_689 : vector<1x16xf32> to vector<16xf32>
        %add3A_691 = arith.addf %scan3A_648, %get3A_690 : vector<16xf32>
        %mul3A_692 = arith.constant 2 : i32
        %mul3A_693 = arith.muli %mul3A_692, %scan3A_644 : i32
        %add3A_694 = arith.constant 1 : i32
        %add3A_695 = arith.addi %mul3A_693, %add3A_694 : i32
        %get3A_696 = arith.constant 0 : i32
        %get3A_697 = arith.constant 0 : i32
        %get3A_698 = tpu.memref_slice %arg6[%scan3A_403, %get3A_696, %get3A_697] : memref<8x50x64xf32, #tpu.memory_space<vmem>> -> memref<1x50x64xf32, #tpu.memory_space<vmem>>
        %get3A_699 = tpu.memref_squeeze %get3A_698 : memref<1x50x64xf32, #tpu.memory_space<vmem>> -> memref<50x64xf32, #tpu.memory_space<vmem>>
        %get3A_700 = arith.index_cast %add3A_695 : i32 to index
        %get3A_701 = arith.constant 0 : index
        %get3A_702 = tpu.vector_load %get3A_699[%get3A_700, %get3A_701] {strides = array<i32>} : memref<50x64xf32, #tpu.memory_space<vmem>>, vector<1x16xf32>,
        %get3A_703 = vector.shape_cast %get3A_702 : vector<1x16xf32> to vector<16xf32>
        %add3A_704 = arith.addf %add3A_658, %get3A_703 : vector<16xf32>
        %mul3A_705 = arith.constant 2 : i32
        %mul3A_706 = arith.muli %mul3A_705, %scan3A_644 : i32
        %add3A_707 = arith.constant 1 : i32
        %add3A_708 = arith.addi %mul3A_706, %add3A_707 : i32
        %get3A_709 = arith.constant 0 : i32
        %get3A_710 = arith.constant 0 : i32
        %get3A_711 = tpu.memref_slice %arg6[%scan3A_403, %get3A_709, %get3A_710] : memref<8x50x64xf32, #tpu.memory_space<vmem>> -> memref<1x50x64xf32, #tpu.memory_space<vmem>>
        %get3A_712 = tpu.memref_squeeze %get3A_711 : memref<1x50x64xf32, #tpu.memory_space<vmem>> -> memref<50x64xf32, #tpu.memory_space<vmem>>
        %get3A_713 = arith.index_cast %add3A_708 : i32 to index
        %get3A_714 = arith.constant 16 : index
        %get3A_715 = tpu.vector_load %get3A_712[%get3A_713, %get3A_714] {strides = array<i32>} : memref<50x64xf32, #tpu.memory_space<vmem>>, vector<1x16xf32>,
        %get3A_716 = vector.shape_cast %get3A_715 : vector<1x16xf32> to vector<16xf32>
        %add3A_717 = arith.addf %add3A_669, %get3A_716 : vector<16xf32>
        %mul3A_718 = arith.constant 2 : i32
        %mul3A_719 = arith.muli %mul3A_718, %scan3A_644 : i32
        %add3A_720 = arith.constant 1 : i32
        %add3A_721 = arith.addi %mul3A_719, %add3A_720 : i32
        %get3A_722 = arith.constant 0 : i32
        %get3A_723 = arith.constant 0 : i32
        %get3A_724 = tpu.memref_slice %arg6[%scan3A_403, %get3A_722, %get3A_723] : memref<8x50x64xf32, #tpu.memory_space<vmem>> -> memref<1x50x64xf32, #tpu.memory_space<vmem>>
        %get3A_725 = tpu.memref_squeeze %get3A_724 : memref<1x50x64xf32, #tpu.memory_space<vmem>> -> memref<50x64xf32, #tpu.memory_space<vmem>>
        %get3A_726 = arith.index_cast %add3A_721 : i32 to index
        %get3A_727 = arith.constant 32 : index
        %get3A_728 = tpu.vector_load %get3A_725[%get3A_726, %get3A_727] {strides = array<i32>} : memref<50x64xf32, #tpu.memory_space<vmem>>, vector<1x16xf32>,
        %get3A_729 = vector.shape_cast %get3A_728 : vector<1x16xf32> to vector<16xf32>
        %add3A_730 = arith.addf %add3A_680, %get3A_729 : vector<16xf32>
        %mul3A_731 = arith.constant 2 : i32
        %mul3A_732 = arith.muli %mul3A_731, %scan3A_644 : i32
        %add3A_733 = arith.constant 1 : i32
        %add3A_734 = arith.addi %mul3A_732, %add3A_733 : i32
        %get3A_735 = arith.constant 0 : i32
        %get3A_736 = arith.constant 0 : i32
        %get3A_737 = tpu.memref_slice %arg6[%scan3A_403, %get3A_735, %get3A_736] : memref<8x50x64xf32, #tpu.memory_space<vmem>> -> memref<1x50x64xf32, #tpu.memory_space<vmem>>
        %get3A_738 = tpu.memref_squeeze %get3A_737 : memref<1x50x64xf32, #tpu.memory_space<vmem>> -> memref<50x64xf32, #tpu.memory_space<vmem>>
        %get3A_739 = arith.index_cast %add3A_734 : i32 to index
        %get3A_740 = arith.constant 48 : index
        %get3A_741 = tpu.vector_load %get3A_738[%get3A_739, %get3A_740] {strides = array<i32>} : memref<50x64xf32, #tpu.memory_space<vmem>>, vector<1x16xf32>,
        %get3A_742 = vector.shape_cast %get3A_741 : vector<1x16xf32> to vector<16xf32>
        %add3A_743 = arith.addf %add3A_691, %get3A_742 : vector<16xf32>
        scf.yield %add3A_704, %add3A_717, %add3A_730, %add3A_743 : vector<16xf32>, vector<16xf32>, vector<16xf32>, vector<16xf32>
      }
      %scan3A_409 = arith.constant 25 : i32
      %add3A_410 = arith.constant 8 : i32
      %add3A_411 = arith.addi %add3A_385, %add3A_410 : i32
      %lt3A_412 = arith.constant 128 : i32
      %lt3A_413 = arith.cmpi slt, %add3A_411, %lt3A_412 : i32
      %convert_element_type3A_414 = arith.extui %lt3A_413 : i1 to i32
      %cond3A_415 = arith.constant 0 : i32
      %cond3A_416 = arith.cmpi ne, %convert_element_type3A_414, %cond3A_415 : i32
      scf.if %cond3A_416 {
        %dma_start3A_644 = arith.constant 4 : i32
        %dma_start3A_645 = arith.constant 4 : i32
        %dma_start3A_646 = arith.constant 0 : i32
        %dma_start3A_647 = arith.constant 0 : i32
        %dma_start3A_648 = tpu.memref_slice %arg6[%dma_start3A_644, %dma_start3A_646, %dma_start3A_647] : memref<8x50x64xf32, #tpu.memory_space<vmem>> -> memref<1x50x64xf32, #tpu.memory_space<vmem>>
        %dma_start3A_649 = tpu.memref_squeeze %dma_start3A_648 : memref<1x50x64xf32, #tpu.memory_space<vmem>> -> memref<50x64xf32, #tpu.memory_space<vmem>>
        %dma_start3A_650 = arith.constant 0 : i32
        %dma_start3A_651 = tpu.memref_slice %arg5[%add3A_411, %dma_start3A_650] : memref<128x50xi32, #tpu.memory_space<vmem>> -> memref<1x50xi32, #tpu.memory_space<vmem>>
        %dma_start3A_652 = tpu.memref_squeeze %dma_start3A_651 : memref<1x50xi32, #tpu.memory_space<vmem>> -> memref<50xi32, #tpu.memory_space<vmem>>
        %dma_start3A_653 = arith.constant 0 : i32
        %dma_start3A_654 = arith.constant 0 : i32
        %dma_start3A_655 = tpu.memref_slice %arg3[%dma_start3A_653, %dma_start3A_654] : memref<1000000x64xf32, #tpu.memory_space<hbm>> -> memref<1000000x64xf32, #tpu.memory_space<hbm>>
        %dma_start3A_656 = tpu.memref_slice %arg8[%dma_start3A_645] : memref<8x!tpu.dma_semaphore, #tpu.memory_space<semaphore_mem>> -> memref<1x!tpu.dma_semaphore, #tpu.memory_space<semaphore_mem>>
        %dma_start3A_657 = tpu.memref_squeeze %dma_start3A_656 : memref<1x!tpu.dma_semaphore, #tpu.memory_space<semaphore_mem>> -> memref<!tpu.dma_semaphore, #tpu.memory_space<semaphore_mem>>
        tpu.enqueue_indirect_dma source(%dma_start3A_655 : memref<1000000x64xf32, #tpu.memory_space<hbm>>) target(%dma_start3A_649 : memref<50x64xf32, #tpu.memory_space<vmem>>) offsets(%dma_start3A_652 : memref<50xi32, #tpu.memory_space<vmem>>) semaphore(%dma_start3A_657 : memref<!tpu.dma_semaphore, #tpu.memory_space<semaphore_mem>>)
      } else {
      }
      %mul3A_417 = arith.constant 2.000000e-02 : f32
      %mul3A_418 = vector.broadcast %mul3A_417 : f32 to vector<16xf32>
      %mul3A_419 = arith.mulf %scan3A_408#0, %mul3A_418 : vector<16xf32>
      %swap3A_420 = arith.index_cast %add3A_385 : i32 to index
      %swap3A_421 = arith.constant 0 : index
      %swap3A_422 = tpu.vector_load %arg7[%swap3A_420, %swap3A_421] {strides = array<i32>} : memref<128x64xf32, #tpu.memory_space<vmem>>, vector<1x16xf32>,
      %swap3A_423 = vector.shape_cast %swap3A_422 : vector<1x16xf32> to vector<16xf32>
      %swap3A_424 = vector.shape_cast %mul3A_419 : vector<16xf32> to vector<1x16xf32>
      tpu.vector_store %arg7[%swap3A_420, %swap3A_421], %swap3A_424 {strides = array<i32>} : memref<128x64xf32, #tpu.memory_space<vmem>>, vector<1x16xf32>,
      %mul3A_425 = arith.constant 2.000000e-02 : f32
      %mul3A_426 = vector.broadcast %mul3A_425 : f32 to vector<16xf32>
      %mul3A_427 = arith.mulf %scan3A_408#1, %mul3A_426 : vector<16xf32>
      %swap3A_428 = arith.index_cast %add3A_385 : i32 to index
      %swap3A_429 = arith.constant 16 : index
      %swap3A_430 = tpu.vector_load %arg7[%swap3A_428, %swap3A_429] {strides = array<i32>} : memref<128x64xf32, #tpu.memory_space<vmem>>, vector<1x16xf32>,
      %swap3A_431 = vector.shape_cast %swap3A_430 : vector<1x16xf32> to vector<16xf32>
      %swap3A_432 = vector.shape_cast %mul3A_427 : vector<16xf32> to vector<1x16xf32>
      tpu.vector_store %arg7[%swap3A_428, %swap3A_429], %swap3A_432 {strides = array<i32>} : memref<128x64xf32, #tpu.memory_space<vmem>>, vector<1x16xf32>,
      %mul3A_433 = arith.constant 2.000000e-02 : f32
      %mul3A_434 = vector.broadcast %mul3A_433 : f32 to vector<16xf32>
      %mul3A_435 = arith.mulf %scan3A_408#2, %mul3A_434 : vector<16xf32>
      %swap3A_436 = arith.index_cast %add3A_385 : i32 to index
      %swap3A_437 = arith.constant 32 : index
      %swap3A_438 = tpu.vector_load %arg7[%swap3A_436, %swap3A_437] {strides = array<i32>} : memref<128x64xf32, #tpu.memory_space<vmem>>, vector<1x16xf32>,
      %swap3A_439 = vector.shape_cast %swap3A_438 : vector<1x16xf32> to vector<16xf32>
      %swap3A_440 = vector.shape_cast %mul3A_435 : vector<16xf32> to vector<1x16xf32>
      tpu.vector_store %arg7[%swap3A_436, %swap3A_437], %swap3A_440 {strides = array<i32>} : memref<128x64xf32, #tpu.memory_space<vmem>>, vector<1x16xf32>,
      %mul3A_441 = arith.constant 2.000000e-02 : f32
      %mul3A_442 = vector.broadcast %mul3A_441 : f32 to vector<16xf32>
      %mul3A_443 = arith.mulf %scan3A_408#3, %mul3A_442 : vector<16xf32>
      %swap3A_444 = arith.index_cast %add3A_385 : i32 to index
      %swap3A_445 = arith.constant 48 : index
      %swap3A_446 = tpu.vector_load %arg7[%swap3A_444, %swap3A_445] {strides = array<i32>} : memref<128x64xf32, #tpu.memory_space<vmem>>, vector<1x16xf32>,
      %swap3A_447 = vector.shape_cast %swap3A_446 : vector<1x16xf32> to vector<16xf32>
      %swap3A_448 = vector.shape_cast %mul3A_443 : vector<16xf32> to vector<1x16xf32>
      tpu.vector_store %arg7[%swap3A_444, %swap3A_445], %swap3A_448 {strides = array<i32>} : memref<128x64xf32, #tpu.memory_space<vmem>>, vector<1x16xf32>,
      %add3A_449 = arith.constant 5 : i32
      %add3A_450 = arith.addi %mul3A_129, %add3A_449 : i32
      %dma_wait3A_451 = arith.constant 0 : i32
      %dma_wait3A_452 = arith.constant 5 : i32
      %dma_wait3A_453 = arith.constant 5 : i32
      %dma_wait3A_454 = arith.constant 0 : i32
      %dma_wait3A_455 = arith.constant 0 : i32
      %dma_wait3A_456 = tpu.memref_slice %arg6[%dma_wait3A_452, %dma_wait3A_454, %dma_wait3A_455] : memref<8x50x64xf32, #tpu.memory_space<vmem>> -> memref<1x50x64xf32, #tpu.memory_space<vmem>>
      %dma_wait3A_457 = tpu.memref_squeeze %dma_wait3A_456 : memref<1x50x64xf32, #tpu.memory_space<vmem>> -> memref<50x64xf32, #tpu.memory_space<vmem>>
      %dma_wait3A_458 = arith.constant 0 : i32
      %dma_wait3A_459 = tpu.memref_slice %arg5[%dma_wait3A_451, %dma_wait3A_458] : memref<128x50xi32, #tpu.memory_space<vmem>> -> memref<1x50xi32, #tpu.memory_space<vmem>>
      %dma_wait3A_460 = tpu.memref_squeeze %dma_wait3A_459 : memref<1x50xi32, #tpu.memory_space<vmem>> -> memref<50xi32, #tpu.memory_space<vmem>>
      %dma_wait3A_461 = arith.constant 0 : i32
      %dma_wait3A_462 = arith.constant 0 : i32
      %dma_wait3A_463 = tpu.memref_slice %arg3[%dma_wait3A_461, %dma_wait3A_462] : memref<1000000x64xf32, #tpu.memory_space<hbm>> -> memref<1000000x64xf32, #tpu.memory_space<hbm>>
      %dma_wait3A_464 = tpu.memref_slice %arg8[%dma_wait3A_453] : memref<8x!tpu.dma_semaphore, #tpu.memory_space<semaphore_mem>> -> memref<1x!tpu.dma_semaphore, #tpu.memory_space<semaphore_mem>>
      %dma_wait3A_465 = tpu.memref_squeeze %dma_wait3A_464 : memref<1x!tpu.dma_semaphore, #tpu.memory_space<semaphore_mem>> -> memref<!tpu.dma_semaphore, #tpu.memory_space<semaphore_mem>>
      tpu.wait_indirect_dma semaphore(%dma_wait3A_465 : memref<!tpu.dma_semaphore, #tpu.memory_space<semaphore_mem>>) src(%dma_wait3A_463 : memref<1000000x64xf32, #tpu.memory_space<hbm>>) dst(%dma_wait3A_457 : memref<50x64xf32, #tpu.memory_space<vmem>>)
      %broadcast_in_dim3A_466 = arith.constant 0.000000e+00 : f32
      %broadcast_in_dim3A_467 = vector.broadcast %broadcast_in_dim3A_466 : f32 to vector<16xf32>
      %scan3A_468 = arith.constant 5 : i32
      %scan3A_469 = arith.constant 0 : i32
      %scan3A_470 = arith.constant 25 : i32
      %scan3A_471 = arith.addi %scan3A_469, %scan3A_470 : i32
      %scan3A_472 = arith.constant 1 : i32
      %scan3A_473:4 = scf.for %scan3A_644 = %scan3A_469 to %scan3A_471 step %scan3A_472 iter_args(%scan3A_645 = %broadcast_in_dim3A_467, %scan3A_646 = %broadcast_in_dim3A_467, %scan3A_647 = %broadcast_in_dim3A_467, %scan3A_648 = %broadcast_in_dim3A_467) -> (vector<16xf32>, vector<16xf32>, vector<16xf32>, vector<16xf32>)  : i32 {
        %mul3A_649 = arith.constant 2 : i32
        %mul3A_650 = arith.muli %mul3A_649, %scan3A_644 : i32
        %get3A = arith.constant 0 : i32
        %get3A_651 = arith.constant 0 : i32
        %get3A_652 = tpu.memref_slice %arg6[%scan3A_468, %get3A, %get3A_651] : memref<8x50x64xf32, #tpu.memory_space<vmem>> -> memref<1x50x64xf32, #tpu.memory_space<vmem>>
        %get3A_653 = tpu.memref_squeeze %get3A_652 : memref<1x50x64xf32, #tpu.memory_space<vmem>> -> memref<50x64xf32, #tpu.memory_space<vmem>>
        %get3A_654 = arith.index_cast %mul3A_650 : i32 to index
        %get3A_655 = arith.constant 0 : index
        %get3A_656 = tpu.vector_load %get3A_653[%get3A_654, %get3A_655] {strides = array<i32>} : memref<50x64xf32, #tpu.memory_space<vmem>>, vector<1x16xf32>,
        %get3A_657 = vector.shape_cast %get3A_656 : vector<1x16xf32> to vector<16xf32>
        %add3A_658 = arith.addf %scan3A_645, %get3A_657 : vector<16xf32>
        %mul3A_659 = arith.constant 2 : i32
        %mul3A_660 = arith.muli %mul3A_659, %scan3A_644 : i32
        %get3A_661 = arith.constant 0 : i32
        %get3A_662 = arith.constant 0 : i32
        %get3A_663 = tpu.memref_slice %arg6[%scan3A_468, %get3A_661, %get3A_662] : memref<8x50x64xf32, #tpu.memory_space<vmem>> -> memref<1x50x64xf32, #tpu.memory_space<vmem>>
        %get3A_664 = tpu.memref_squeeze %get3A_663 : memref<1x50x64xf32, #tpu.memory_space<vmem>> -> memref<50x64xf32, #tpu.memory_space<vmem>>
        %get3A_665 = arith.index_cast %mul3A_660 : i32 to index
        %get3A_666 = arith.constant 16 : index
        %get3A_667 = tpu.vector_load %get3A_664[%get3A_665, %get3A_666] {strides = array<i32>} : memref<50x64xf32, #tpu.memory_space<vmem>>, vector<1x16xf32>,
        %get3A_668 = vector.shape_cast %get3A_667 : vector<1x16xf32> to vector<16xf32>
        %add3A_669 = arith.addf %scan3A_646, %get3A_668 : vector<16xf32>
        %mul3A_670 = arith.constant 2 : i32
        %mul3A_671 = arith.muli %mul3A_670, %scan3A_644 : i32
        %get3A_672 = arith.constant 0 : i32
        %get3A_673 = arith.constant 0 : i32
        %get3A_674 = tpu.memref_slice %arg6[%scan3A_468, %get3A_672, %get3A_673] : memref<8x50x64xf32, #tpu.memory_space<vmem>> -> memref<1x50x64xf32, #tpu.memory_space<vmem>>
        %get3A_675 = tpu.memref_squeeze %get3A_674 : memref<1x50x64xf32, #tpu.memory_space<vmem>> -> memref<50x64xf32, #tpu.memory_space<vmem>>
        %get3A_676 = arith.index_cast %mul3A_671 : i32 to index
        %get3A_677 = arith.constant 32 : index
        %get3A_678 = tpu.vector_load %get3A_675[%get3A_676, %get3A_677] {strides = array<i32>} : memref<50x64xf32, #tpu.memory_space<vmem>>, vector<1x16xf32>,
        %get3A_679 = vector.shape_cast %get3A_678 : vector<1x16xf32> to vector<16xf32>
        %add3A_680 = arith.addf %scan3A_647, %get3A_679 : vector<16xf32>
        %mul3A_681 = arith.constant 2 : i32
        %mul3A_682 = arith.muli %mul3A_681, %scan3A_644 : i32
        %get3A_683 = arith.constant 0 : i32
        %get3A_684 = arith.constant 0 : i32
        %get3A_685 = tpu.memref_slice %arg6[%scan3A_468, %get3A_683, %get3A_684] : memref<8x50x64xf32, #tpu.memory_space<vmem>> -> memref<1x50x64xf32, #tpu.memory_space<vmem>>
        %get3A_686 = tpu.memref_squeeze %get3A_685 : memref<1x50x64xf32, #tpu.memory_space<vmem>> -> memref<50x64xf32, #tpu.memory_space<vmem>>
        %get3A_687 = arith.index_cast %mul3A_682 : i32 to index
        %get3A_688 = arith.constant 48 : index
        %get3A_689 = tpu.vector_load %get3A_686[%get3A_687, %get3A_688] {strides = array<i32>} : memref<50x64xf32, #tpu.memory_space<vmem>>, vector<1x16xf32>,
        %get3A_690 = vector.shape_cast %get3A_689 : vector<1x16xf32> to vector<16xf32>
        %add3A_691 = arith.addf %scan3A_648, %get3A_690 : vector<16xf32>
        %mul3A_692 = arith.constant 2 : i32
        %mul3A_693 = arith.muli %mul3A_692, %scan3A_644 : i32
        %add3A_694 = arith.constant 1 : i32
        %add3A_695 = arith.addi %mul3A_693, %add3A_694 : i32
        %get3A_696 = arith.constant 0 : i32
        %get3A_697 = arith.constant 0 : i32
        %get3A_698 = tpu.memref_slice %arg6[%scan3A_468, %get3A_696, %get3A_697] : memref<8x50x64xf32, #tpu.memory_space<vmem>> -> memref<1x50x64xf32, #tpu.memory_space<vmem>>
        %get3A_699 = tpu.memref_squeeze %get3A_698 : memref<1x50x64xf32, #tpu.memory_space<vmem>> -> memref<50x64xf32, #tpu.memory_space<vmem>>
        %get3A_700 = arith.index_cast %add3A_695 : i32 to index
        %get3A_701 = arith.constant 0 : index
        %get3A_702 = tpu.vector_load %get3A_699[%get3A_700, %get3A_701] {strides = array<i32>} : memref<50x64xf32, #tpu.memory_space<vmem>>, vector<1x16xf32>,
        %get3A_703 = vector.shape_cast %get3A_702 : vector<1x16xf32> to vector<16xf32>
        %add3A_704 = arith.addf %add3A_658, %get3A_703 : vector<16xf32>
        %mul3A_705 = arith.constant 2 : i32
        %mul3A_706 = arith.muli %mul3A_705, %scan3A_644 : i32
        %add3A_707 = arith.constant 1 : i32
        %add3A_708 = arith.addi %mul3A_706, %add3A_707 : i32
        %get3A_709 = arith.constant 0 : i32
        %get3A_710 = arith.constant 0 : i32
        %get3A_711 = tpu.memref_slice %arg6[%scan3A_468, %get3A_709, %get3A_710] : memref<8x50x64xf32, #tpu.memory_space<vmem>> -> memref<1x50x64xf32, #tpu.memory_space<vmem>>
        %get3A_712 = tpu.memref_squeeze %get3A_711 : memref<1x50x64xf32, #tpu.memory_space<vmem>> -> memref<50x64xf32, #tpu.memory_space<vmem>>
        %get3A_713 = arith.index_cast %add3A_708 : i32 to index
        %get3A_714 = arith.constant 16 : index
        %get3A_715 = tpu.vector_load %get3A_712[%get3A_713, %get3A_714] {strides = array<i32>} : memref<50x64xf32, #tpu.memory_space<vmem>>, vector<1x16xf32>,
        %get3A_716 = vector.shape_cast %get3A_715 : vector<1x16xf32> to vector<16xf32>
        %add3A_717 = arith.addf %add3A_669, %get3A_716 : vector<16xf32>
        %mul3A_718 = arith.constant 2 : i32
        %mul3A_719 = arith.muli %mul3A_718, %scan3A_644 : i32
        %add3A_720 = arith.constant 1 : i32
        %add3A_721 = arith.addi %mul3A_719, %add3A_720 : i32
        %get3A_722 = arith.constant 0 : i32
        %get3A_723 = arith.constant 0 : i32
        %get3A_724 = tpu.memref_slice %arg6[%scan3A_468, %get3A_722, %get3A_723] : memref<8x50x64xf32, #tpu.memory_space<vmem>> -> memref<1x50x64xf32, #tpu.memory_space<vmem>>
        %get3A_725 = tpu.memref_squeeze %get3A_724 : memref<1x50x64xf32, #tpu.memory_space<vmem>> -> memref<50x64xf32, #tpu.memory_space<vmem>>
        %get3A_726 = arith.index_cast %add3A_721 : i32 to index
        %get3A_727 = arith.constant 32 : index
        %get3A_728 = tpu.vector_load %get3A_725[%get3A_726, %get3A_727] {strides = array<i32>} : memref<50x64xf32, #tpu.memory_space<vmem>>, vector<1x16xf32>,
        %get3A_729 = vector.shape_cast %get3A_728 : vector<1x16xf32> to vector<16xf32>
        %add3A_730 = arith.addf %add3A_680, %get3A_729 : vector<16xf32>
        %mul3A_731 = arith.constant 2 : i32
        %mul3A_732 = arith.muli %mul3A_731, %scan3A_644 : i32
        %add3A_733 = arith.constant 1 : i32
        %add3A_734 = arith.addi %mul3A_732, %add3A_733 : i32
        %get3A_735 = arith.constant 0 : i32
        %get3A_736 = arith.constant 0 : i32
        %get3A_737 = tpu.memref_slice %arg6[%scan3A_468, %get3A_735, %get3A_736] : memref<8x50x64xf32, #tpu.memory_space<vmem>> -> memref<1x50x64xf32, #tpu.memory_space<vmem>>
        %get3A_738 = tpu.memref_squeeze %get3A_737 : memref<1x50x64xf32, #tpu.memory_space<vmem>> -> memref<50x64xf32, #tpu.memory_space<vmem>>
        %get3A_739 = arith.index_cast %add3A_734 : i32 to index
        %get3A_740 = arith.constant 48 : index
        %get3A_741 = tpu.vector_load %get3A_738[%get3A_739, %get3A_740] {strides = array<i32>} : memref<50x64xf32, #tpu.memory_space<vmem>>, vector<1x16xf32>,
        %get3A_742 = vector.shape_cast %get3A_741 : vector<1x16xf32> to vector<16xf32>
        %add3A_743 = arith.addf %add3A_691, %get3A_742 : vector<16xf32>
        scf.yield %add3A_704, %add3A_717, %add3A_730, %add3A_743 : vector<16xf32>, vector<16xf32>, vector<16xf32>, vector<16xf32>
      }
      %scan3A_474 = arith.constant 25 : i32
      %add3A_475 = arith.constant 8 : i32
      %add3A_476 = arith.addi %add3A_450, %add3A_475 : i32
      %lt3A_477 = arith.constant 128 : i32
      %lt3A_478 = arith.cmpi slt, %add3A_476, %lt3A_477 : i32
      %convert_element_type3A_479 = arith.extui %lt3A_478 : i1 to i32
      %cond3A_480 = arith.constant 0 : i32
      %cond3A_481 = arith.cmpi ne, %convert_element_type3A_479, %cond3A_480 : i32
      scf.if %cond3A_481 {
        %dma_start3A_644 = arith.constant 5 : i32
        %dma_start3A_645 = arith.constant 5 : i32
        %dma_start3A_646 = arith.constant 0 : i32
        %dma_start3A_647 = arith.constant 0 : i32
        %dma_start3A_648 = tpu.memref_slice %arg6[%dma_start3A_644, %dma_start3A_646, %dma_start3A_647] : memref<8x50x64xf32, #tpu.memory_space<vmem>> -> memref<1x50x64xf32, #tpu.memory_space<vmem>>
        %dma_start3A_649 = tpu.memref_squeeze %dma_start3A_648 : memref<1x50x64xf32, #tpu.memory_space<vmem>> -> memref<50x64xf32, #tpu.memory_space<vmem>>
        %dma_start3A_650 = arith.constant 0 : i32
        %dma_start3A_651 = tpu.memref_slice %arg5[%add3A_476, %dma_start3A_650] : memref<128x50xi32, #tpu.memory_space<vmem>> -> memref<1x50xi32, #tpu.memory_space<vmem>>
        %dma_start3A_652 = tpu.memref_squeeze %dma_start3A_651 : memref<1x50xi32, #tpu.memory_space<vmem>> -> memref<50xi32, #tpu.memory_space<vmem>>
        %dma_start3A_653 = arith.constant 0 : i32
        %dma_start3A_654 = arith.constant 0 : i32
        %dma_start3A_655 = tpu.memref_slice %arg3[%dma_start3A_653, %dma_start3A_654] : memref<1000000x64xf32, #tpu.memory_space<hbm>> -> memref<1000000x64xf32, #tpu.memory_space<hbm>>
        %dma_start3A_656 = tpu.memref_slice %arg8[%dma_start3A_645] : memref<8x!tpu.dma_semaphore, #tpu.memory_space<semaphore_mem>> -> memref<1x!tpu.dma_semaphore, #tpu.memory_space<semaphore_mem>>
        %dma_start3A_657 = tpu.memref_squeeze %dma_start3A_656 : memref<1x!tpu.dma_semaphore, #tpu.memory_space<semaphore_mem>> -> memref<!tpu.dma_semaphore, #tpu.memory_space<semaphore_mem>>
        tpu.enqueue_indirect_dma source(%dma_start3A_655 : memref<1000000x64xf32, #tpu.memory_space<hbm>>) target(%dma_start3A_649 : memref<50x64xf32, #tpu.memory_space<vmem>>) offsets(%dma_start3A_652 : memref<50xi32, #tpu.memory_space<vmem>>) semaphore(%dma_start3A_657 : memref<!tpu.dma_semaphore, #tpu.memory_space<semaphore_mem>>)
      } else {
      }
      %mul3A_482 = arith.constant 2.000000e-02 : f32
      %mul3A_483 = vector.broadcast %mul3A_482 : f32 to vector<16xf32>
      %mul3A_484 = arith.mulf %scan3A_473#0, %mul3A_483 : vector<16xf32>
      %swap3A_485 = arith.index_cast %add3A_450 : i32 to index
      %swap3A_486 = arith.constant 0 : index
      %swap3A_487 = tpu.vector_load %arg7[%swap3A_485, %swap3A_486] {strides = array<i32>} : memref<128x64xf32, #tpu.memory_space<vmem>>, vector<1x16xf32>,
      %swap3A_488 = vector.shape_cast %swap3A_487 : vector<1x16xf32> to vector<16xf32>
      %swap3A_489 = vector.shape_cast %mul3A_484 : vector<16xf32> to vector<1x16xf32>
      tpu.vector_store %arg7[%swap3A_485, %swap3A_486], %swap3A_489 {strides = array<i32>} : memref<128x64xf32, #tpu.memory_space<vmem>>, vector<1x16xf32>,
      %mul3A_490 = arith.constant 2.000000e-02 : f32
      %mul3A_491 = vector.broadcast %mul3A_490 : f32 to vector<16xf32>
      %mul3A_492 = arith.mulf %scan3A_473#1, %mul3A_491 : vector<16xf32>
      %swap3A_493 = arith.index_cast %add3A_450 : i32 to index
      %swap3A_494 = arith.constant 16 : index
      %swap3A_495 = tpu.vector_load %arg7[%swap3A_493, %swap3A_494] {strides = array<i32>} : memref<128x64xf32, #tpu.memory_space<vmem>>, vector<1x16xf32>,
      %swap3A_496 = vector.shape_cast %swap3A_495 : vector<1x16xf32> to vector<16xf32>
      %swap3A_497 = vector.shape_cast %mul3A_492 : vector<16xf32> to vector<1x16xf32>
      tpu.vector_store %arg7[%swap3A_493, %swap3A_494], %swap3A_497 {strides = array<i32>} : memref<128x64xf32, #tpu.memory_space<vmem>>, vector<1x16xf32>,
      %mul3A_498 = arith.constant 2.000000e-02 : f32
      %mul3A_499 = vector.broadcast %mul3A_498 : f32 to vector<16xf32>
      %mul3A_500 = arith.mulf %scan3A_473#2, %mul3A_499 : vector<16xf32>
      %swap3A_501 = arith.index_cast %add3A_450 : i32 to index
      %swap3A_502 = arith.constant 32 : index
      %swap3A_503 = tpu.vector_load %arg7[%swap3A_501, %swap3A_502] {strides = array<i32>} : memref<128x64xf32, #tpu.memory_space<vmem>>, vector<1x16xf32>,
      %swap3A_504 = vector.shape_cast %swap3A_503 : vector<1x16xf32> to vector<16xf32>
      %swap3A_505 = vector.shape_cast %mul3A_500 : vector<16xf32> to vector<1x16xf32>
      tpu.vector_store %arg7[%swap3A_501, %swap3A_502], %swap3A_505 {strides = array<i32>} : memref<128x64xf32, #tpu.memory_space<vmem>>, vector<1x16xf32>,
      %mul3A_506 = arith.constant 2.000000e-02 : f32
      %mul3A_507 = vector.broadcast %mul3A_506 : f32 to vector<16xf32>
      %mul3A_508 = arith.mulf %scan3A_473#3, %mul3A_507 : vector<16xf32>
      %swap3A_509 = arith.index_cast %add3A_450 : i32 to index
      %swap3A_510 = arith.constant 48 : index
      %swap3A_511 = tpu.vector_load %arg7[%swap3A_509, %swap3A_510] {strides = array<i32>} : memref<128x64xf32, #tpu.memory_space<vmem>>, vector<1x16xf32>,
      %swap3A_512 = vector.shape_cast %swap3A_511 : vector<1x16xf32> to vector<16xf32>
      %swap3A_513 = vector.shape_cast %mul3A_508 : vector<16xf32> to vector<1x16xf32>
      tpu.vector_store %arg7[%swap3A_509, %swap3A_510], %swap3A_513 {strides = array<i32>} : memref<128x64xf32, #tpu.memory_space<vmem>>, vector<1x16xf32>,
      %add3A_514 = arith.constant 6 : i32
      %add3A_515 = arith.addi %mul3A_129, %add3A_514 : i32
      %dma_wait3A_516 = arith.constant 0 : i32
      %dma_wait3A_517 = arith.constant 6 : i32
      %dma_wait3A_518 = arith.constant 6 : i32
      %dma_wait3A_519 = arith.constant 0 : i32
      %dma_wait3A_520 = arith.constant 0 : i32
      %dma_wait3A_521 = tpu.memref_slice %arg6[%dma_wait3A_517, %dma_wait3A_519, %dma_wait3A_520] : memref<8x50x64xf32, #tpu.memory_space<vmem>> -> memref<1x50x64xf32, #tpu.memory_space<vmem>>
      %dma_wait3A_522 = tpu.memref_squeeze %dma_wait3A_521 : memref<1x50x64xf32, #tpu.memory_space<vmem>> -> memref<50x64xf32, #tpu.memory_space<vmem>>
      %dma_wait3A_523 = arith.constant 0 : i32
      %dma_wait3A_524 = tpu.memref_slice %arg5[%dma_wait3A_516, %dma_wait3A_523] : memref<128x50xi32, #tpu.memory_space<vmem>> -> memref<1x50xi32, #tpu.memory_space<vmem>>
      %dma_wait3A_525 = tpu.memref_squeeze %dma_wait3A_524 : memref<1x50xi32, #tpu.memory_space<vmem>> -> memref<50xi32, #tpu.memory_space<vmem>>
      %dma_wait3A_526 = arith.constant 0 : i32
      %dma_wait3A_527 = arith.constant 0 : i32
      %dma_wait3A_528 = tpu.memref_slice %arg3[%dma_wait3A_526, %dma_wait3A_527] : memref<1000000x64xf32, #tpu.memory_space<hbm>> -> memref<1000000x64xf32, #tpu.memory_space<hbm>>
      %dma_wait3A_529 = tpu.memref_slice %arg8[%dma_wait3A_518] : memref<8x!tpu.dma_semaphore, #tpu.memory_space<semaphore_mem>> -> memref<1x!tpu.dma_semaphore, #tpu.memory_space<semaphore_mem>>
      %dma_wait3A_530 = tpu.memref_squeeze %dma_wait3A_529 : memref<1x!tpu.dma_semaphore, #tpu.memory_space<semaphore_mem>> -> memref<!tpu.dma_semaphore, #tpu.memory_space<semaphore_mem>>
      tpu.wait_indirect_dma semaphore(%dma_wait3A_530 : memref<!tpu.dma_semaphore, #tpu.memory_space<semaphore_mem>>) src(%dma_wait3A_528 : memref<1000000x64xf32, #tpu.memory_space<hbm>>) dst(%dma_wait3A_522 : memref<50x64xf32, #tpu.memory_space<vmem>>)
      %broadcast_in_dim3A_531 = arith.constant 0.000000e+00 : f32
      %broadcast_in_dim3A_532 = vector.broadcast %broadcast_in_dim3A_531 : f32 to vector<16xf32>
      %scan3A_533 = arith.constant 6 : i32
      %scan3A_534 = arith.constant 0 : i32
      %scan3A_535 = arith.constant 25 : i32
      %scan3A_536 = arith.addi %scan3A_534, %scan3A_535 : i32
      %scan3A_537 = arith.constant 1 : i32
      %scan3A_538:4 = scf.for %scan3A_644 = %scan3A_534 to %scan3A_536 step %scan3A_537 iter_args(%scan3A_645 = %broadcast_in_dim3A_532, %scan3A_646 = %broadcast_in_dim3A_532, %scan3A_647 = %broadcast_in_dim3A_532, %scan3A_648 = %broadcast_in_dim3A_532) -> (vector<16xf32>, vector<16xf32>, vector<16xf32>, vector<16xf32>)  : i32 {
        %mul3A_649 = arith.constant 2 : i32
        %mul3A_650 = arith.muli %mul3A_649, %scan3A_644 : i32
        %get3A = arith.constant 0 : i32
        %get3A_651 = arith.constant 0 : i32
        %get3A_652 = tpu.memref_slice %arg6[%scan3A_533, %get3A, %get3A_651] : memref<8x50x64xf32, #tpu.memory_space<vmem>> -> memref<1x50x64xf32, #tpu.memory_space<vmem>>
        %get3A_653 = tpu.memref_squeeze %get3A_652 : memref<1x50x64xf32, #tpu.memory_space<vmem>> -> memref<50x64xf32, #tpu.memory_space<vmem>>
        %get3A_654 = arith.index_cast %mul3A_650 : i32 to index
        %get3A_655 = arith.constant 0 : index
        %get3A_656 = tpu.vector_load %get3A_653[%get3A_654, %get3A_655] {strides = array<i32>} : memref<50x64xf32, #tpu.memory_space<vmem>>, vector<1x16xf32>,
        %get3A_657 = vector.shape_cast %get3A_656 : vector<1x16xf32> to vector<16xf32>
        %add3A_658 = arith.addf %scan3A_645, %get3A_657 : vector<16xf32>
        %mul3A_659 = arith.constant 2 : i32
        %mul3A_660 = arith.muli %mul3A_659, %scan3A_644 : i32
        %get3A_661 = arith.constant 0 : i32
        %get3A_662 = arith.constant 0 : i32
        %get3A_663 = tpu.memref_slice %arg6[%scan3A_533, %get3A_661, %get3A_662] : memref<8x50x64xf32, #tpu.memory_space<vmem>> -> memref<1x50x64xf32, #tpu.memory_space<vmem>>
        %get3A_664 = tpu.memref_squeeze %get3A_663 : memref<1x50x64xf32, #tpu.memory_space<vmem>> -> memref<50x64xf32, #tpu.memory_space<vmem>>
        %get3A_665 = arith.index_cast %mul3A_660 : i32 to index
        %get3A_666 = arith.constant 16 : index
        %get3A_667 = tpu.vector_load %get3A_664[%get3A_665, %get3A_666] {strides = array<i32>} : memref<50x64xf32, #tpu.memory_space<vmem>>, vector<1x16xf32>,
        %get3A_668 = vector.shape_cast %get3A_667 : vector<1x16xf32> to vector<16xf32>
        %add3A_669 = arith.addf %scan3A_646, %get3A_668 : vector<16xf32>
        %mul3A_670 = arith.constant 2 : i32
        %mul3A_671 = arith.muli %mul3A_670, %scan3A_644 : i32
        %get3A_672 = arith.constant 0 : i32
        %get3A_673 = arith.constant 0 : i32
        %get3A_674 = tpu.memref_slice %arg6[%scan3A_533, %get3A_672, %get3A_673] : memref<8x50x64xf32, #tpu.memory_space<vmem>> -> memref<1x50x64xf32, #tpu.memory_space<vmem>>
        %get3A_675 = tpu.memref_squeeze %get3A_674 : memref<1x50x64xf32, #tpu.memory_space<vmem>> -> memref<50x64xf32, #tpu.memory_space<vmem>>
        %get3A_676 = arith.index_cast %mul3A_671 : i32 to index
        %get3A_677 = arith.constant 32 : index
        %get3A_678 = tpu.vector_load %get3A_675[%get3A_676, %get3A_677] {strides = array<i32>} : memref<50x64xf32, #tpu.memory_space<vmem>>, vector<1x16xf32>,
        %get3A_679 = vector.shape_cast %get3A_678 : vector<1x16xf32> to vector<16xf32>
        %add3A_680 = arith.addf %scan3A_647, %get3A_679 : vector<16xf32>
        %mul3A_681 = arith.constant 2 : i32
        %mul3A_682 = arith.muli %mul3A_681, %scan3A_644 : i32
        %get3A_683 = arith.constant 0 : i32
        %get3A_684 = arith.constant 0 : i32
        %get3A_685 = tpu.memref_slice %arg6[%scan3A_533, %get3A_683, %get3A_684] : memref<8x50x64xf32, #tpu.memory_space<vmem>> -> memref<1x50x64xf32, #tpu.memory_space<vmem>>
        %get3A_686 = tpu.memref_squeeze %get3A_685 : memref<1x50x64xf32, #tpu.memory_space<vmem>> -> memref<50x64xf32, #tpu.memory_space<vmem>>
        %get3A_687 = arith.index_cast %mul3A_682 : i32 to index
        %get3A_688 = arith.constant 48 : index
        %get3A_689 = tpu.vector_load %get3A_686[%get3A_687, %get3A_688] {strides = array<i32>} : memref<50x64xf32, #tpu.memory_space<vmem>>, vector<1x16xf32>,
        %get3A_690 = vector.shape_cast %get3A_689 : vector<1x16xf32> to vector<16xf32>
        %add3A_691 = arith.addf %scan3A_648, %get3A_690 : vector<16xf32>
        %mul3A_692 = arith.constant 2 : i32
        %mul3A_693 = arith.muli %mul3A_692, %scan3A_644 : i32
        %add3A_694 = arith.constant 1 : i32
        %add3A_695 = arith.addi %mul3A_693, %add3A_694 : i32
        %get3A_696 = arith.constant 0 : i32
        %get3A_697 = arith.constant 0 : i32
        %get3A_698 = tpu.memref_slice %arg6[%scan3A_533, %get3A_696, %get3A_697] : memref<8x50x64xf32, #tpu.memory_space<vmem>> -> memref<1x50x64xf32, #tpu.memory_space<vmem>>
        %get3A_699 = tpu.memref_squeeze %get3A_698 : memref<1x50x64xf32, #tpu.memory_space<vmem>> -> memref<50x64xf32, #tpu.memory_space<vmem>>
        %get3A_700 = arith.index_cast %add3A_695 : i32 to index
        %get3A_701 = arith.constant 0 : index
        %get3A_702 = tpu.vector_load %get3A_699[%get3A_700, %get3A_701] {strides = array<i32>} : memref<50x64xf32, #tpu.memory_space<vmem>>, vector<1x16xf32>,
        %get3A_703 = vector.shape_cast %get3A_702 : vector<1x16xf32> to vector<16xf32>
        %add3A_704 = arith.addf %add3A_658, %get3A_703 : vector<16xf32>
        %mul3A_705 = arith.constant 2 : i32
        %mul3A_706 = arith.muli %mul3A_705, %scan3A_644 : i32
        %add3A_707 = arith.constant 1 : i32
        %add3A_708 = arith.addi %mul3A_706, %add3A_707 : i32
        %get3A_709 = arith.constant 0 : i32
        %get3A_710 = arith.constant 0 : i32
        %get3A_711 = tpu.memref_slice %arg6[%scan3A_533, %get3A_709, %get3A_710] : memref<8x50x64xf32, #tpu.memory_space<vmem>> -> memref<1x50x64xf32, #tpu.memory_space<vmem>>
        %get3A_712 = tpu.memref_squeeze %get3A_711 : memref<1x50x64xf32, #tpu.memory_space<vmem>> -> memref<50x64xf32, #tpu.memory_space<vmem>>
        %get3A_713 = arith.index_cast %add3A_708 : i32 to index
        %get3A_714 = arith.constant 16 : index
        %get3A_715 = tpu.vector_load %get3A_712[%get3A_713, %get3A_714] {strides = array<i32>} : memref<50x64xf32, #tpu.memory_space<vmem>>, vector<1x16xf32>,
        %get3A_716 = vector.shape_cast %get3A_715 : vector<1x16xf32> to vector<16xf32>
        %add3A_717 = arith.addf %add3A_669, %get3A_716 : vector<16xf32>
        %mul3A_718 = arith.constant 2 : i32
        %mul3A_719 = arith.muli %mul3A_718, %scan3A_644 : i32
        %add3A_720 = arith.constant 1 : i32
        %add3A_721 = arith.addi %mul3A_719, %add3A_720 : i32
        %get3A_722 = arith.constant 0 : i32
        %get3A_723 = arith.constant 0 : i32
        %get3A_724 = tpu.memref_slice %arg6[%scan3A_533, %get3A_722, %get3A_723] : memref<8x50x64xf32, #tpu.memory_space<vmem>> -> memref<1x50x64xf32, #tpu.memory_space<vmem>>
        %get3A_725 = tpu.memref_squeeze %get3A_724 : memref<1x50x64xf32, #tpu.memory_space<vmem>> -> memref<50x64xf32, #tpu.memory_space<vmem>>
        %get3A_726 = arith.index_cast %add3A_721 : i32 to index
        %get3A_727 = arith.constant 32 : index
        %get3A_728 = tpu.vector_load %get3A_725[%get3A_726, %get3A_727] {strides = array<i32>} : memref<50x64xf32, #tpu.memory_space<vmem>>, vector<1x16xf32>,
        %get3A_729 = vector.shape_cast %get3A_728 : vector<1x16xf32> to vector<16xf32>
        %add3A_730 = arith.addf %add3A_680, %get3A_729 : vector<16xf32>
        %mul3A_731 = arith.constant 2 : i32
        %mul3A_732 = arith.muli %mul3A_731, %scan3A_644 : i32
        %add3A_733 = arith.constant 1 : i32
        %add3A_734 = arith.addi %mul3A_732, %add3A_733 : i32
        %get3A_735 = arith.constant 0 : i32
        %get3A_736 = arith.constant 0 : i32
        %get3A_737 = tpu.memref_slice %arg6[%scan3A_533, %get3A_735, %get3A_736] : memref<8x50x64xf32, #tpu.memory_space<vmem>> -> memref<1x50x64xf32, #tpu.memory_space<vmem>>
        %get3A_738 = tpu.memref_squeeze %get3A_737 : memref<1x50x64xf32, #tpu.memory_space<vmem>> -> memref<50x64xf32, #tpu.memory_space<vmem>>
        %get3A_739 = arith.index_cast %add3A_734 : i32 to index
        %get3A_740 = arith.constant 48 : index
        %get3A_741 = tpu.vector_load %get3A_738[%get3A_739, %get3A_740] {strides = array<i32>} : memref<50x64xf32, #tpu.memory_space<vmem>>, vector<1x16xf32>,
        %get3A_742 = vector.shape_cast %get3A_741 : vector<1x16xf32> to vector<16xf32>
        %add3A_743 = arith.addf %add3A_691, %get3A_742 : vector<16xf32>
        scf.yield %add3A_704, %add3A_717, %add3A_730, %add3A_743 : vector<16xf32>, vector<16xf32>, vector<16xf32>, vector<16xf32>
      }
      %scan3A_539 = arith.constant 25 : i32
      %add3A_540 = arith.constant 8 : i32
      %add3A_541 = arith.addi %add3A_515, %add3A_540 : i32
      %lt3A_542 = arith.constant 128 : i32
      %lt3A_543 = arith.cmpi slt, %add3A_541, %lt3A_542 : i32
      %convert_element_type3A_544 = arith.extui %lt3A_543 : i1 to i32
      %cond3A_545 = arith.constant 0 : i32
      %cond3A_546 = arith.cmpi ne, %convert_element_type3A_544, %cond3A_545 : i32
      scf.if %cond3A_546 {
        %dma_start3A_644 = arith.constant 6 : i32
        %dma_start3A_645 = arith.constant 6 : i32
        %dma_start3A_646 = arith.constant 0 : i32
        %dma_start3A_647 = arith.constant 0 : i32
        %dma_start3A_648 = tpu.memref_slice %arg6[%dma_start3A_644, %dma_start3A_646, %dma_start3A_647] : memref<8x50x64xf32, #tpu.memory_space<vmem>> -> memref<1x50x64xf32, #tpu.memory_space<vmem>>
        %dma_start3A_649 = tpu.memref_squeeze %dma_start3A_648 : memref<1x50x64xf32, #tpu.memory_space<vmem>> -> memref<50x64xf32, #tpu.memory_space<vmem>>
        %dma_start3A_650 = arith.constant 0 : i32
        %dma_start3A_651 = tpu.memref_slice %arg5[%add3A_541, %dma_start3A_650] : memref<128x50xi32, #tpu.memory_space<vmem>> -> memref<1x50xi32, #tpu.memory_space<vmem>>
        %dma_start3A_652 = tpu.memref_squeeze %dma_start3A_651 : memref<1x50xi32, #tpu.memory_space<vmem>> -> memref<50xi32, #tpu.memory_space<vmem>>
        %dma_start3A_653 = arith.constant 0 : i32
        %dma_start3A_654 = arith.constant 0 : i32
        %dma_start3A_655 = tpu.memref_slice %arg3[%dma_start3A_653, %dma_start3A_654] : memref<1000000x64xf32, #tpu.memory_space<hbm>> -> memref<1000000x64xf32, #tpu.memory_space<hbm>>
        %dma_start3A_656 = tpu.memref_slice %arg8[%dma_start3A_645] : memref<8x!tpu.dma_semaphore, #tpu.memory_space<semaphore_mem>> -> memref<1x!tpu.dma_semaphore, #tpu.memory_space<semaphore_mem>>
        %dma_start3A_657 = tpu.memref_squeeze %dma_start3A_656 : memref<1x!tpu.dma_semaphore, #tpu.memory_space<semaphore_mem>> -> memref<!tpu.dma_semaphore, #tpu.memory_space<semaphore_mem>>
        tpu.enqueue_indirect_dma source(%dma_start3A_655 : memref<1000000x64xf32, #tpu.memory_space<hbm>>) target(%dma_start3A_649 : memref<50x64xf32, #tpu.memory_space<vmem>>) offsets(%dma_start3A_652 : memref<50xi32, #tpu.memory_space<vmem>>) semaphore(%dma_start3A_657 : memref<!tpu.dma_semaphore, #tpu.memory_space<semaphore_mem>>)
      } else {
      }
      %mul3A_547 = arith.constant 2.000000e-02 : f32
      %mul3A_548 = vector.broadcast %mul3A_547 : f32 to vector<16xf32>
      %mul3A_549 = arith.mulf %scan3A_538#0, %mul3A_548 : vector<16xf32>
      %swap3A_550 = arith.index_cast %add3A_515 : i32 to index
      %swap3A_551 = arith.constant 0 : index
      %swap3A_552 = tpu.vector_load %arg7[%swap3A_550, %swap3A_551] {strides = array<i32>} : memref<128x64xf32, #tpu.memory_space<vmem>>, vector<1x16xf32>,
      %swap3A_553 = vector.shape_cast %swap3A_552 : vector<1x16xf32> to vector<16xf32>
      %swap3A_554 = vector.shape_cast %mul3A_549 : vector<16xf32> to vector<1x16xf32>
      tpu.vector_store %arg7[%swap3A_550, %swap3A_551], %swap3A_554 {strides = array<i32>} : memref<128x64xf32, #tpu.memory_space<vmem>>, vector<1x16xf32>,
      %mul3A_555 = arith.constant 2.000000e-02 : f32
      %mul3A_556 = vector.broadcast %mul3A_555 : f32 to vector<16xf32>
      %mul3A_557 = arith.mulf %scan3A_538#1, %mul3A_556 : vector<16xf32>
      %swap3A_558 = arith.index_cast %add3A_515 : i32 to index
      %swap3A_559 = arith.constant 16 : index
      %swap3A_560 = tpu.vector_load %arg7[%swap3A_558, %swap3A_559] {strides = array<i32>} : memref<128x64xf32, #tpu.memory_space<vmem>>, vector<1x16xf32>,
      %swap3A_561 = vector.shape_cast %swap3A_560 : vector<1x16xf32> to vector<16xf32>
      %swap3A_562 = vector.shape_cast %mul3A_557 : vector<16xf32> to vector<1x16xf32>
      tpu.vector_store %arg7[%swap3A_558, %swap3A_559], %swap3A_562 {strides = array<i32>} : memref<128x64xf32, #tpu.memory_space<vmem>>, vector<1x16xf32>,
      %mul3A_563 = arith.constant 2.000000e-02 : f32
      %mul3A_564 = vector.broadcast %mul3A_563 : f32 to vector<16xf32>
      %mul3A_565 = arith.mulf %scan3A_538#2, %mul3A_564 : vector<16xf32>
      %swap3A_566 = arith.index_cast %add3A_515 : i32 to index
      %swap3A_567 = arith.constant 32 : index
      %swap3A_568 = tpu.vector_load %arg7[%swap3A_566, %swap3A_567] {strides = array<i32>} : memref<128x64xf32, #tpu.memory_space<vmem>>, vector<1x16xf32>,
      %swap3A_569 = vector.shape_cast %swap3A_568 : vector<1x16xf32> to vector<16xf32>
      %swap3A_570 = vector.shape_cast %mul3A_565 : vector<16xf32> to vector<1x16xf32>
      tpu.vector_store %arg7[%swap3A_566, %swap3A_567], %swap3A_570 {strides = array<i32>} : memref<128x64xf32, #tpu.memory_space<vmem>>, vector<1x16xf32>,
      %mul3A_571 = arith.constant 2.000000e-02 : f32
      %mul3A_572 = vector.broadcast %mul3A_571 : f32 to vector<16xf32>
      %mul3A_573 = arith.mulf %scan3A_538#3, %mul3A_572 : vector<16xf32>
      %swap3A_574 = arith.index_cast %add3A_515 : i32 to index
      %swap3A_575 = arith.constant 48 : index
      %swap3A_576 = tpu.vector_load %arg7[%swap3A_574, %swap3A_575] {strides = array<i32>} : memref<128x64xf32, #tpu.memory_space<vmem>>, vector<1x16xf32>,
      %swap3A_577 = vector.shape_cast %swap3A_576 : vector<1x16xf32> to vector<16xf32>
      %swap3A_578 = vector.shape_cast %mul3A_573 : vector<16xf32> to vector<1x16xf32>
      tpu.vector_store %arg7[%swap3A_574, %swap3A_575], %swap3A_578 {strides = array<i32>} : memref<128x64xf32, #tpu.memory_space<vmem>>, vector<1x16xf32>,
      %add3A_579 = arith.constant 7 : i32
      %add3A_580 = arith.addi %mul3A_129, %add3A_579 : i32
      %dma_wait3A_581 = arith.constant 0 : i32
      %dma_wait3A_582 = arith.constant 7 : i32
      %dma_wait3A_583 = arith.constant 7 : i32
      %dma_wait3A_584 = arith.constant 0 : i32
      %dma_wait3A_585 = arith.constant 0 : i32
      %dma_wait3A_586 = tpu.memref_slice %arg6[%dma_wait3A_582, %dma_wait3A_584, %dma_wait3A_585] : memref<8x50x64xf32, #tpu.memory_space<vmem>> -> memref<1x50x64xf32, #tpu.memory_space<vmem>>
      %dma_wait3A_587 = tpu.memref_squeeze %dma_wait3A_586 : memref<1x50x64xf32, #tpu.memory_space<vmem>> -> memref<50x64xf32, #tpu.memory_space<vmem>>
      %dma_wait3A_588 = arith.constant 0 : i32
      %dma_wait3A_589 = tpu.memref_slice %arg5[%dma_wait3A_581, %dma_wait3A_588] : memref<128x50xi32, #tpu.memory_space<vmem>> -> memref<1x50xi32, #tpu.memory_space<vmem>>
      %dma_wait3A_590 = tpu.memref_squeeze %dma_wait3A_589 : memref<1x50xi32, #tpu.memory_space<vmem>> -> memref<50xi32, #tpu.memory_space<vmem>>
      %dma_wait3A_591 = arith.constant 0 : i32
      %dma_wait3A_592 = arith.constant 0 : i32
      %dma_wait3A_593 = tpu.memref_slice %arg3[%dma_wait3A_591, %dma_wait3A_592] : memref<1000000x64xf32, #tpu.memory_space<hbm>> -> memref<1000000x64xf32, #tpu.memory_space<hbm>>
      %dma_wait3A_594 = tpu.memref_slice %arg8[%dma_wait3A_583] : memref<8x!tpu.dma_semaphore, #tpu.memory_space<semaphore_mem>> -> memref<1x!tpu.dma_semaphore, #tpu.memory_space<semaphore_mem>>
      %dma_wait3A_595 = tpu.memref_squeeze %dma_wait3A_594 : memref<1x!tpu.dma_semaphore, #tpu.memory_space<semaphore_mem>> -> memref<!tpu.dma_semaphore, #tpu.memory_space<semaphore_mem>>
      tpu.wait_indirect_dma semaphore(%dma_wait3A_595 : memref<!tpu.dma_semaphore, #tpu.memory_space<semaphore_mem>>) src(%dma_wait3A_593 : memref<1000000x64xf32, #tpu.memory_space<hbm>>) dst(%dma_wait3A_587 : memref<50x64xf32, #tpu.memory_space<vmem>>)
      %broadcast_in_dim3A_596 = arith.constant 0.000000e+00 : f32
      %broadcast_in_dim3A_597 = vector.broadcast %broadcast_in_dim3A_596 : f32 to vector<16xf32>
      %scan3A_598 = arith.constant 7 : i32
      %scan3A_599 = arith.constant 0 : i32
      %scan3A_600 = arith.constant 25 : i32
      %scan3A_601 = arith.addi %scan3A_599, %scan3A_600 : i32
      %scan3A_602 = arith.constant 1 : i32
      %scan3A_603:4 = scf.for %scan3A_644 = %scan3A_599 to %scan3A_601 step %scan3A_602 iter_args(%scan3A_645 = %broadcast_in_dim3A_597, %scan3A_646 = %broadcast_in_dim3A_597, %scan3A_647 = %broadcast_in_dim3A_597, %scan3A_648 = %broadcast_in_dim3A_597) -> (vector<16xf32>, vector<16xf32>, vector<16xf32>, vector<16xf32>)  : i32 {
        %mul3A_649 = arith.constant 2 : i32
        %mul3A_650 = arith.muli %mul3A_649, %scan3A_644 : i32
        %get3A = arith.constant 0 : i32
        %get3A_651 = arith.constant 0 : i32
        %get3A_652 = tpu.memref_slice %arg6[%scan3A_598, %get3A, %get3A_651] : memref<8x50x64xf32, #tpu.memory_space<vmem>> -> memref<1x50x64xf32, #tpu.memory_space<vmem>>
        %get3A_653 = tpu.memref_squeeze %get3A_652 : memref<1x50x64xf32, #tpu.memory_space<vmem>> -> memref<50x64xf32, #tpu.memory_space<vmem>>
        %get3A_654 = arith.index_cast %mul3A_650 : i32 to index
        %get3A_655 = arith.constant 0 : index
        %get3A_656 = tpu.vector_load %get3A_653[%get3A_654, %get3A_655] {strides = array<i32>} : memref<50x64xf32, #tpu.memory_space<vmem>>, vector<1x16xf32>,
        %get3A_657 = vector.shape_cast %get3A_656 : vector<1x16xf32> to vector<16xf32>
        %add3A_658 = arith.addf %scan3A_645, %get3A_657 : vector<16xf32>
        %mul3A_659 = arith.constant 2 : i32
        %mul3A_660 = arith.muli %mul3A_659, %scan3A_644 : i32
        %get3A_661 = arith.constant 0 : i32
        %get3A_662 = arith.constant 0 : i32
        %get3A_663 = tpu.memref_slice %arg6[%scan3A_598, %get3A_661, %get3A_662] : memref<8x50x64xf32, #tpu.memory_space<vmem>> -> memref<1x50x64xf32, #tpu.memory_space<vmem>>
        %get3A_664 = tpu.memref_squeeze %get3A_663 : memref<1x50x64xf32, #tpu.memory_space<vmem>> -> memref<50x64xf32, #tpu.memory_space<vmem>>
        %get3A_665 = arith.index_cast %mul3A_660 : i32 to index
        %get3A_666 = arith.constant 16 : index
        %get3A_667 = tpu.vector_load %get3A_664[%get3A_665, %get3A_666] {strides = array<i32>} : memref<50x64xf32, #tpu.memory_space<vmem>>, vector<1x16xf32>,
        %get3A_668 = vector.shape_cast %get3A_667 : vector<1x16xf32> to vector<16xf32>
        %add3A_669 = arith.addf %scan3A_646, %get3A_668 : vector<16xf32>
        %mul3A_670 = arith.constant 2 : i32
        %mul3A_671 = arith.muli %mul3A_670, %scan3A_644 : i32
        %get3A_672 = arith.constant 0 : i32
        %get3A_673 = arith.constant 0 : i32
        %get3A_674 = tpu.memref_slice %arg6[%scan3A_598, %get3A_672, %get3A_673] : memref<8x50x64xf32, #tpu.memory_space<vmem>> -> memref<1x50x64xf32, #tpu.memory_space<vmem>>
        %get3A_675 = tpu.memref_squeeze %get3A_674 : memref<1x50x64xf32, #tpu.memory_space<vmem>> -> memref<50x64xf32, #tpu.memory_space<vmem>>
        %get3A_676 = arith.index_cast %mul3A_671 : i32 to index
        %get3A_677 = arith.constant 32 : index
        %get3A_678 = tpu.vector_load %get3A_675[%get3A_676, %get3A_677] {strides = array<i32>} : memref<50x64xf32, #tpu.memory_space<vmem>>, vector<1x16xf32>,
        %get3A_679 = vector.shape_cast %get3A_678 : vector<1x16xf32> to vector<16xf32>
        %add3A_680 = arith.addf %scan3A_647, %get3A_679 : vector<16xf32>
        %mul3A_681 = arith.constant 2 : i32
        %mul3A_682 = arith.muli %mul3A_681, %scan3A_644 : i32
        %get3A_683 = arith.constant 0 : i32
        %get3A_684 = arith.constant 0 : i32
        %get3A_685 = tpu.memref_slice %arg6[%scan3A_598, %get3A_683, %get3A_684] : memref<8x50x64xf32, #tpu.memory_space<vmem>> -> memref<1x50x64xf32, #tpu.memory_space<vmem>>
        %get3A_686 = tpu.memref_squeeze %get3A_685 : memref<1x50x64xf32, #tpu.memory_space<vmem>> -> memref<50x64xf32, #tpu.memory_space<vmem>>
        %get3A_687 = arith.index_cast %mul3A_682 : i32 to index
        %get3A_688 = arith.constant 48 : index
        %get3A_689 = tpu.vector_load %get3A_686[%get3A_687, %get3A_688] {strides = array<i32>} : memref<50x64xf32, #tpu.memory_space<vmem>>, vector<1x16xf32>,
        %get3A_690 = vector.shape_cast %get3A_689 : vector<1x16xf32> to vector<16xf32>
        %add3A_691 = arith.addf %scan3A_648, %get3A_690 : vector<16xf32>
        %mul3A_692 = arith.constant 2 : i32
        %mul3A_693 = arith.muli %mul3A_692, %scan3A_644 : i32
        %add3A_694 = arith.constant 1 : i32
        %add3A_695 = arith.addi %mul3A_693, %add3A_694 : i32
        %get3A_696 = arith.constant 0 : i32
        %get3A_697 = arith.constant 0 : i32
        %get3A_698 = tpu.memref_slice %arg6[%scan3A_598, %get3A_696, %get3A_697] : memref<8x50x64xf32, #tpu.memory_space<vmem>> -> memref<1x50x64xf32, #tpu.memory_space<vmem>>
        %get3A_699 = tpu.memref_squeeze %get3A_698 : memref<1x50x64xf32, #tpu.memory_space<vmem>> -> memref<50x64xf32, #tpu.memory_space<vmem>>
        %get3A_700 = arith.index_cast %add3A_695 : i32 to index
        %get3A_701 = arith.constant 0 : index
        %get3A_702 = tpu.vector_load %get3A_699[%get3A_700, %get3A_701] {strides = array<i32>} : memref<50x64xf32, #tpu.memory_space<vmem>>, vector<1x16xf32>,
        %get3A_703 = vector.shape_cast %get3A_702 : vector<1x16xf32> to vector<16xf32>
        %add3A_704 = arith.addf %add3A_658, %get3A_703 : vector<16xf32>
        %mul3A_705 = arith.constant 2 : i32
        %mul3A_706 = arith.muli %mul3A_705, %scan3A_644 : i32
        %add3A_707 = arith.constant 1 : i32
        %add3A_708 = arith.addi %mul3A_706, %add3A_707 : i32
        %get3A_709 = arith.constant 0 : i32
        %get3A_710 = arith.constant 0 : i32
        %get3A_711 = tpu.memref_slice %arg6[%scan3A_598, %get3A_709, %get3A_710] : memref<8x50x64xf32, #tpu.memory_space<vmem>> -> memref<1x50x64xf32, #tpu.memory_space<vmem>>
        %get3A_712 = tpu.memref_squeeze %get3A_711 : memref<1x50x64xf32, #tpu.memory_space<vmem>> -> memref<50x64xf32, #tpu.memory_space<vmem>>
        %get3A_713 = arith.index_cast %add3A_708 : i32 to index
        %get3A_714 = arith.constant 16 : index
        %get3A_715 = tpu.vector_load %get3A_712[%get3A_713, %get3A_714] {strides = array<i32>} : memref<50x64xf32, #tpu.memory_space<vmem>>, vector<1x16xf32>,
        %get3A_716 = vector.shape_cast %get3A_715 : vector<1x16xf32> to vector<16xf32>
        %add3A_717 = arith.addf %add3A_669, %get3A_716 : vector<16xf32>
        %mul3A_718 = arith.constant 2 : i32
        %mul3A_719 = arith.muli %mul3A_718, %scan3A_644 : i32
        %add3A_720 = arith.constant 1 : i32
        %add3A_721 = arith.addi %mul3A_719, %add3A_720 : i32
        %get3A_722 = arith.constant 0 : i32
        %get3A_723 = arith.constant 0 : i32
        %get3A_724 = tpu.memref_slice %arg6[%scan3A_598, %get3A_722, %get3A_723] : memref<8x50x64xf32, #tpu.memory_space<vmem>> -> memref<1x50x64xf32, #tpu.memory_space<vmem>>
        %get3A_725 = tpu.memref_squeeze %get3A_724 : memref<1x50x64xf32, #tpu.memory_space<vmem>> -> memref<50x64xf32, #tpu.memory_space<vmem>>
        %get3A_726 = arith.index_cast %add3A_721 : i32 to index
        %get3A_727 = arith.constant 32 : index
        %get3A_728 = tpu.vector_load %get3A_725[%get3A_726, %get3A_727] {strides = array<i32>} : memref<50x64xf32, #tpu.memory_space<vmem>>, vector<1x16xf32>,
        %get3A_729 = vector.shape_cast %get3A_728 : vector<1x16xf32> to vector<16xf32>
        %add3A_730 = arith.addf %add3A_680, %get3A_729 : vector<16xf32>
        %mul3A_731 = arith.constant 2 : i32
        %mul3A_732 = arith.muli %mul3A_731, %scan3A_644 : i32
        %add3A_733 = arith.constant 1 : i32
        %add3A_734 = arith.addi %mul3A_732, %add3A_733 : i32
        %get3A_735 = arith.constant 0 : i32
        %get3A_736 = arith.constant 0 : i32
        %get3A_737 = tpu.memref_slice %arg6[%scan3A_598, %get3A_735, %get3A_736] : memref<8x50x64xf32, #tpu.memory_space<vmem>> -> memref<1x50x64xf32, #tpu.memory_space<vmem>>
        %get3A_738 = tpu.memref_squeeze %get3A_737 : memref<1x50x64xf32, #tpu.memory_space<vmem>> -> memref<50x64xf32, #tpu.memory_space<vmem>>
        %get3A_739 = arith.index_cast %add3A_734 : i32 to index
        %get3A_740 = arith.constant 48 : index
        %get3A_741 = tpu.vector_load %get3A_738[%get3A_739, %get3A_740] {strides = array<i32>} : memref<50x64xf32, #tpu.memory_space<vmem>>, vector<1x16xf32>,
        %get3A_742 = vector.shape_cast %get3A_741 : vector<1x16xf32> to vector<16xf32>
        %add3A_743 = arith.addf %add3A_691, %get3A_742 : vector<16xf32>
        scf.yield %add3A_704, %add3A_717, %add3A_730, %add3A_743 : vector<16xf32>, vector<16xf32>, vector<16xf32>, vector<16xf32>
      }
      %scan3A_604 = arith.constant 25 : i32
      %add3A_605 = arith.constant 8 : i32
      %add3A_606 = arith.addi %add3A_580, %add3A_605 : i32
      %lt3A_607 = arith.constant 128 : i32
      %lt3A_608 = arith.cmpi slt, %add3A_606, %lt3A_607 : i32
      %convert_element_type3A_609 = arith.extui %lt3A_608 : i1 to i32
      %cond3A_610 = arith.constant 0 : i32
      %cond3A_611 = arith.cmpi ne, %convert_element_type3A_609, %cond3A_610 : i32
      scf.if %cond3A_611 {
        %dma_start3A_644 = arith.constant 7 : i32
        %dma_start3A_645 = arith.constant 7 : i32
        %dma_start3A_646 = arith.constant 0 : i32
        %dma_start3A_647 = arith.constant 0 : i32
        %dma_start3A_648 = tpu.memref_slice %arg6[%dma_start3A_644, %dma_start3A_646, %dma_start3A_647] : memref<8x50x64xf32, #tpu.memory_space<vmem>> -> memref<1x50x64xf32, #tpu.memory_space<vmem>>
        %dma_start3A_649 = tpu.memref_squeeze %dma_start3A_648 : memref<1x50x64xf32, #tpu.memory_space<vmem>> -> memref<50x64xf32, #tpu.memory_space<vmem>>
        %dma_start3A_650 = arith.constant 0 : i32
        %dma_start3A_651 = tpu.memref_slice %arg5[%add3A_606, %dma_start3A_650] : memref<128x50xi32, #tpu.memory_space<vmem>> -> memref<1x50xi32, #tpu.memory_space<vmem>>
        %dma_start3A_652 = tpu.memref_squeeze %dma_start3A_651 : memref<1x50xi32, #tpu.memory_space<vmem>> -> memref<50xi32, #tpu.memory_space<vmem>>
        %dma_start3A_653 = arith.constant 0 : i32
        %dma_start3A_654 = arith.constant 0 : i32
        %dma_start3A_655 = tpu.memref_slice %arg3[%dma_start3A_653, %dma_start3A_654] : memref<1000000x64xf32, #tpu.memory_space<hbm>> -> memref<1000000x64xf32, #tpu.memory_space<hbm>>
        %dma_start3A_656 = tpu.memref_slice %arg8[%dma_start3A_645] : memref<8x!tpu.dma_semaphore, #tpu.memory_space<semaphore_mem>> -> memref<1x!tpu.dma_semaphore, #tpu.memory_space<semaphore_mem>>
        %dma_start3A_657 = tpu.memref_squeeze %dma_start3A_656 : memref<1x!tpu.dma_semaphore, #tpu.memory_space<semaphore_mem>> -> memref<!tpu.dma_semaphore, #tpu.memory_space<semaphore_mem>>
        tpu.enqueue_indirect_dma source(%dma_start3A_655 : memref<1000000x64xf32, #tpu.memory_space<hbm>>) target(%dma_start3A_649 : memref<50x64xf32, #tpu.memory_space<vmem>>) offsets(%dma_start3A_652 : memref<50xi32, #tpu.memory_space<vmem>>) semaphore(%dma_start3A_657 : memref<!tpu.dma_semaphore, #tpu.memory_space<semaphore_mem>>)
      } else {
      }
      %mul3A_612 = arith.constant 2.000000e-02 : f32
      %mul3A_613 = vector.broadcast %mul3A_612 : f32 to vector<16xf32>
      %mul3A_614 = arith.mulf %scan3A_603#0, %mul3A_613 : vector<16xf32>
      %swap3A_615 = arith.index_cast %add3A_580 : i32 to index
      %swap3A_616 = arith.constant 0 : index
      %swap3A_617 = tpu.vector_load %arg7[%swap3A_615, %swap3A_616] {strides = array<i32>} : memref<128x64xf32, #tpu.memory_space<vmem>>, vector<1x16xf32>,
      %swap3A_618 = vector.shape_cast %swap3A_617 : vector<1x16xf32> to vector<16xf32>
      %swap3A_619 = vector.shape_cast %mul3A_614 : vector<16xf32> to vector<1x16xf32>
      tpu.vector_store %arg7[%swap3A_615, %swap3A_616], %swap3A_619 {strides = array<i32>} : memref<128x64xf32, #tpu.memory_space<vmem>>, vector<1x16xf32>,
      %mul3A_620 = arith.constant 2.000000e-02 : f32
      %mul3A_621 = vector.broadcast %mul3A_620 : f32 to vector<16xf32>
      %mul3A_622 = arith.mulf %scan3A_603#1, %mul3A_621 : vector<16xf32>
      %swap3A_623 = arith.index_cast %add3A_580 : i32 to index
      %swap3A_624 = arith.constant 16 : index
      %swap3A_625 = tpu.vector_load %arg7[%swap3A_623, %swap3A_624] {strides = array<i32>} : memref<128x64xf32, #tpu.memory_space<vmem>>, vector<1x16xf32>,
      %swap3A_626 = vector.shape_cast %swap3A_625 : vector<1x16xf32> to vector<16xf32>
      %swap3A_627 = vector.shape_cast %mul3A_622 : vector<16xf32> to vector<1x16xf32>
      tpu.vector_store %arg7[%swap3A_623, %swap3A_624], %swap3A_627 {strides = array<i32>} : memref<128x64xf32, #tpu.memory_space<vmem>>, vector<1x16xf32>,
      %mul3A_628 = arith.constant 2.000000e-02 : f32
      %mul3A_629 = vector.broadcast %mul3A_628 : f32 to vector<16xf32>
      %mul3A_630 = arith.mulf %scan3A_603#2, %mul3A_629 : vector<16xf32>
      %swap3A_631 = arith.index_cast %add3A_580 : i32 to index
      %swap3A_632 = arith.constant 32 : index
      %swap3A_633 = tpu.vector_load %arg7[%swap3A_631, %swap3A_632] {strides = array<i32>} : memref<128x64xf32, #tpu.memory_space<vmem>>, vector<1x16xf32>,
      %swap3A_634 = vector.shape_cast %swap3A_633 : vector<1x16xf32> to vector<16xf32>
      %swap3A_635 = vector.shape_cast %mul3A_630 : vector<16xf32> to vector<1x16xf32>
      tpu.vector_store %arg7[%swap3A_631, %swap3A_632], %swap3A_635 {strides = array<i32>} : memref<128x64xf32, #tpu.memory_space<vmem>>, vector<1x16xf32>,
      %mul3A_636 = arith.constant 2.000000e-02 : f32
      %mul3A_637 = vector.broadcast %mul3A_636 : f32 to vector<16xf32>
      %mul3A_638 = arith.mulf %scan3A_603#3, %mul3A_637 : vector<16xf32>
      %swap3A_639 = arith.index_cast %add3A_580 : i32 to index
      %swap3A_640 = arith.constant 48 : index
      %swap3A_641 = tpu.vector_load %arg7[%swap3A_639, %swap3A_640] {strides = array<i32>} : memref<128x64xf32, #tpu.memory_space<vmem>>, vector<1x16xf32>,
      %swap3A_642 = vector.shape_cast %swap3A_641 : vector<1x16xf32> to vector<16xf32>
      %swap3A_643 = vector.shape_cast %mul3A_638 : vector<16xf32> to vector<1x16xf32>
      tpu.vector_store %arg7[%swap3A_639, %swap3A_640], %swap3A_643 {strides = array<i32>} : memref<128x64xf32, #tpu.memory_space<vmem>>, vector<1x16xf32>,
    }
    %scan3A_126 = arith.constant 16 : i32
    "tpu.region"() ({
      %run_scoped3A = tpu.sem_alloc : memref<!tpu.dma_semaphore, #tpu.memory_space<semaphore_mem>>
      %dma_start3A_127 = arith.constant 0 : i32
      %dma_start3A_128 = tpu.memref_slice %arg4[%mul3A_2, %dma_start3A_127] : memref<4096x64xf32, #tpu.memory_space<hbm>> -> memref<128x64xf32, #tpu.memory_space<hbm>>
      %dma_start3A_129 = arith.constant 0 : i32
      %dma_start3A_130 = tpu.memref_slice %arg4[%mul3A_2, %dma_start3A_129] : memref<4096x64xf32, #tpu.memory_space<hbm>> -> memref<128x64xf32, #tpu.memory_space<hbm>>
      tpu.enqueue_dma source(%arg7 : memref<128x64xf32, #tpu.memory_space<vmem>>) target(%dma_start3A_130 : memref<128x64xf32, #tpu.memory_space<hbm>>) target_semaphore(%run_scoped3A : memref<!tpu.dma_semaphore, #tpu.memory_space<semaphore_mem>>)
      %dma_wait3A = arith.constant 0 : i32
      %dma_wait3A_131 = tpu.memref_slice %arg4[%mul3A_2, %dma_wait3A] : memref<4096x64xf32, #tpu.memory_space<hbm>> -> memref<128x64xf32, #tpu.memory_space<hbm>>
      %dma_wait3A_132 = arith.constant 0 : i32
      %dma_wait3A_133 = tpu.memref_slice %arg4[%mul3A_2, %dma_wait3A_132] : memref<4096x64xf32, #tpu.memory_space<hbm>> -> memref<128x64xf32, #tpu.memory_space<hbm>>
      tpu.wait_dma2 semaphore(%run_scoped3A : memref<!tpu.dma_semaphore, #tpu.memory_space<semaphore_mem>>) src(%arg7 : memref<128x64xf32, #tpu.memory_space<vmem>>) dst(%dma_wait3A_133 : memref<128x64xf32, #tpu.memory_space<hbm>>)
      tpu.yield
    }) : () -> ()
    return
  }
}

</mosaic_0001>

<sc_bundles>
// kernel: kernel.3.cloned.1.call-start
scs
__scs_entry_jumppad:
0x0: {  	(pc) =	sbr.rel $0x88, $3  }
0x1: {  	(tag) =	ssettag $0x0;
	lr =	simm.s32 $0x1  }
0x2: {  	[smem:$0x3F9F] =	sst lr;
	_ =	strace $0xD0000000  }
0x3: {  	_ = 	snop  }
0x4: {  	_ = 	snop  }
0x5: {  	_ = 	snop  }
0x6: {  	_ = 	snop  }
0x7: {  	_ = 	snop  }
__scs_overlays_trampoline_lowered:
0x8: {  	[smem:$0x3FAE] =	sst s0  }
0x9: {  	[smem:$0x3FAF] =	sst s1  }
0xa: {  	[smem:$0x3FB0] =	sst s2  }
0xb: {  	[smem:$0x3FB1] =	sst s3  }
0xc: {  	[smem:$0x3FB2] =	sst s4  }
0xd: {  	[smem:$0x3FB3] =	sst s5  }
0xe: {  	[smem:$0x3FB4] =	sst s6  }
0xf: {  	[smem:$0x3FB5] =	sst s7  }
0x10: {  	[smem:$0x3FB6] =	sst s8  }
0x11: {  	[smem:$0x3FB7] =	sst s9;
	s0 =	simm.s32 @!p0 $0x0  }
0x12: {  	s1 =	sld [smem:$0x3F9D];
	s0 =	simm.s32 @p0 $0x1  }
0x13: {  	[smem:$0x3FB8] =	sst s0;
	s0 =	simm.s32 @!p1 $0x0  }
0x14: {  	s2 =	sld [smem:$0x3F9C];
	s0 =	simm.s32 @p1 $0x1  }
0x15: {  	[smem:$0x3FB9] =	sst s0;
	s0 =	simm.s32 @!p2 $0x0  }
0x16: {  	s3 =	sld [smem:$0x3FDB];
	s0 =	simm.s32 @p2 $0x1  }
0x17: {  	s4 =	simm.s32 $0x1BF5;
	[smem:$0x3FBB] =	sst s0  }
0x18: {  	s0 =	sld [smem:$0x3F9E];
	_ =	swait.ge [sflag:s4], $0x0  }
0x19: {  	s7 =	sld [smem:$0x3F9F]  }
0x1a: {  	s8 =	sadd.s32 $0xFFFFE003, lr  }
0x1b: {  	s9 =	sadd.s32 $0xFFFFFEF7, lr;
	s5 =	simm.s32 $0xFFFFFFFF;
	p2 =	slt.u32 s8, $0xFFFFF086  }
0x1c: {  	p1 =	slt.u32 s9, $0xF7A;
	s5 =	simm.s32 @!p2 $0x0  }
0x1d: {  	s5 =	simm.s32 @p1 $0x1;
	p0 =	seq.s32 s7, s2  }
0x1e: {  	s7 =	smul.u32 @!p0 $0xF7A, s2;
	p2 =	seq.s32 @!p0 s5, $0x0  }
0x1f: {  	s9 =	smul.u32 $0xF7A, s1;
	s8 =	simm.s32 @!p0 $0x1BF5;
	p2 =	por !p2, p0  }
0x20: {  	[sflag:s8] =	ssyncset.s32 @!p0 $0xFFFFF086;
	s6 =	sadd.s32 @!p0 s3, s7;
	s7 =	simm.s32 @!p0 $0x108  }
0x21: {  	s3 =	sadd.s32 s3, s9;
	s6 =	sadd.s32 @!p0 $0x88, s6;
	s7 =	simm.s32 @p2 $0x1082  }
0x22: {  	[simem:s7], [sflag:s8] =	dma.local @!p0 [hbm:s6], $0xF7A  }
0x23: {  	s9 =	sor.u32 $0xD0000000, s2;
	s6 =	simm.s32 $0x108;
	_ =	swait.ge @!p0 [sflag:s8], $0x0  }
0x24: {  	s3 =	sadd.s32 $0x88, s3;
	s6 =	simm.s32 @!p1 $0x1082;
	[sflag:s4] =	ssyncset.s32 $0xFFFFF086  }
0x25: {  	[simem:s6], [sflag:s4] =	dma.local [hbm:s3], $0xF7A  }
0x26: {  	[smem:$0x3F9F] =	sst s1;
	(tag) =	ssettag s2;
	_ =	strace s9  }
0x27: {  	s1 =	sld [smem:$0x3FAF]  }
0x28: {  	s2 =	sld [smem:$0x3FB0]  }
0x29: {  	s4 =	sld [smem:$0x3FB2]  }
0x2a: {  	p0 =	seq.s32 s5, $0x0;
	s5 =	sld [smem:$0x3FB3]  }
0x2b: {  	s6 =	sld [smem:$0x3FB4]  }
0x2c: {  	s7 =	sld [smem:$0x3FB5]  }
0x2d: {  	s3 =	simm.s32 $0x108;
	s8 =	sld [smem:$0x3FB6]  }
0x2e: {  	s3 =	simm.s32 @!p0 $0x1082;
	s9 =	sld [smem:$0x3FB7]  }
0x2f: {  	lr =	sadd.s32 s0, s3;
	s0 =	sld [smem:$0x3FAE]  }
0x30: {  	s3 =	sld [smem:$0x3FB1]  }
0x31: {  	[smem:$0x3FBA] =	sst s10  }
0x32: {  	s10 =	sld [smem:$0x3FB8];
	_ =	sdelay $0x3  }
0x33: {  	p0 =	seq.s32 s10, $0x1;
	s10 =	sld [smem:$0x3FBA];
	_ =	sdelay $0x3  }
0x34: {  	[smem:$0x3FBA] =	sst s10  }
0x35: {  	s10 =	sld [smem:$0x3FB9];
	_ =	sdelay $0x3  }
0x36: {  	p1 =	seq.s32 s10, $0x1;
	s10 =	sld [smem:$0x3FBA];
	_ =	sdelay $0x3  }
0x37: {  	[smem:$0x3FBA] =	sst s10  }
0x38: {  	s10 =	sld [smem:$0x3FBB]  }
0x39: {  	_ = 	snop;
	(pc) =	sbr.ind lr, $3  }
0x3a: {  	_ = 	snop  }
0x3b: {  	_ = 	snop  }
0x3c: {  	p2 =	seq.s32 s10, $0x1;
	s10 =	sld [smem:$0x3FBA]  }
0x3d: {  	_ =	shalt  }
0x3e: {  	_ =	shalt  }
0x3f: {  	_ =	shalt  }
0x40: {  	_ =	shalt  }
0x41: {  	_ =	shalt  }
0x42: {  	_ =	shalt  }
0x43: {  	_ =	shalt  }
0x44: {  	_ =	shalt  }
0x45: {  	_ =	shalt  }
0x46: {  	_ =	shalt  }
0x47: {  	_ =	shalt  }
0x48: {  	_ =	shalt  }
0x49: {  	_ =	shalt  }
0x4a: {  	_ =	shalt  }
0x4b: {  	_ =	shalt  }
0x4c: {  	_ =	shalt  }
0x4d: {  	_ =	shalt  }
0x4e: {  	_ =	shalt  }
0x4f: {  	_ =	shalt  }
0x50: {  	_ =	shalt  }
0x51: {  	_ =	shalt  }
0x52: {  	_ =	shalt  }
0x53: {  	_ =	shalt  }
0x54: {  	_ =	shalt  }
0x55: {  	_ =	shalt  }
0x56: {  	_ =	shalt  }
0x57: {  	_ =	shalt  }
0x58: {  	_ =	shalt  }
0x59: {  	_ =	shalt  }
0x5a: {  	_ =	shalt  }
0x5b: {  	_ =	shalt  }
0x5c: {  	_ =	shalt  }
0x5d: {  	_ =	shalt  }
0x5e: {  	_ =	shalt  }
0x5f: {  	_ =	shalt  }
0x60: {  	_ =	shalt  }
0x61: {  	_ =	shalt  }
0x62: {  	_ =	shalt  }
0x63: {  	_ =	shalt  }
0x64: {  	_ =	shalt  }
0x65: {  	_ =	shalt  }
0x66: {  	_ =	shalt  }
0x67: {  	_ =	shalt  }
0x68: {  	_ =	shalt  }
0x69: {  	_ =	shalt  }
0x6a: {  	_ =	shalt  }
0x6b: {  	_ =	shalt  }
0x6c: {  	_ =	shalt  }
0x6d: {  	_ =	shalt  }
0x6e: {  	_ =	shalt  }
0x6f: {  	_ =	shalt  }
0x70: {  	_ =	shalt  }
0x71: {  	_ =	shalt  }
0x72: {  	_ =	shalt  }
0x73: {  	_ =	shalt  }
0x74: {  	_ =	shalt  }
0x75: {  	_ =	shalt  }
0x76: {  	_ =	shalt  }
0x77: {  	_ =	shalt  }
0x78: {  	_ =	shalt  }
0x79: {  	_ =	shalt  }
0x7a: {  	_ =	shalt  }
0x7b: {  	_ =	shalt  }
0x7c: {  	_ =	shalt  }
0x7d: {  	_ =	shalt  }
0x7e: {  	_ =	shalt  }
0x7f: {  	_ =	shalt  }
0x80: {  	_ =	shalt  }
0x81: {  	_ =	shalt  }
0x82: {  	_ =	shalt  }
0x83: {  	_ =	shalt  }
0x84: {  	_ =	shalt  }
0x85: {  	_ =	shalt  }
0x86: {  	_ =	shalt  }
0x87: {  	_ =	shalt  }
.Lfunc_end0:
.L_simem_size_0:
called_computation_lowered:
.L_overlay_start_0:
0x88: {  	s2 =	sld [smem:$0x3FD9]  }
0x89: {  	s3 =	sld [smem:$0x3FFE];
	_ =	sdelay $0x1  }
0x8a: {  	s1 =	srdreg.scid  }
0x8b: {  	s0 =	sand.u32 $0x1, s1  }
0x8c: {  	s17 =	sshll.u32 s0, $0xA;
	s2 =	sadd.s32 s3, s2  }
0x8d: {  	s2 =	sadd.s32 s2, s17  }
0x8e: {  	[smem:$0x3FC6] =	sst s2  }
0x8f: {  	_ = 	snop  }
0x90: {  	s2 =	sld [smem:$0x3FD0];
	(tm) =	ssettm $0x1  }
0x91: {  	s18 =	sld [smem:$0x3FFB];
	_ =	sdelay $0x3  }
0x92: {  	_ =	strace s18  }
0x93: {  	s3 =	sld [smem:$0x3FFC];
	_ =	sdelay $0x3  }
0x94: {  	_ =	strace s3  }
0x95: {  	s3 =	sld [smem:$0x3FFD];
	_ =	sdelay $0x3  }
0x96: {  	_ =	strace s3  }
0x97: {  	_ =	strace $0x8FFFFFFF  }
0x98: {  	s19 =	sld [smem:$0x3FDB];
	_ =	sdelay $0x1  }
0x99: {  	s4 =	simm.s32 $_scs_section_size  }
0x9a: {  	s5 =	simm.s32 $_size__tile_overlayer_lowered;
	s6 =	simm.s32 $_tile_overlayer_lowered  }
0x9b: {  	s22 =	simm.s32 $0x1BFF;
	s21 =	sshll.u32 s6, $0x1;
	s3 =	sadd.s32 s4, s19  }
0x9c: {  	s7 =	simm.s32 $0x0;
	s20 =	sshll.u32 s5, $0x1;
	s5 =	sadd.s32 s21, s3  }
0x9d: {  	[timem:s7], [sflag:s22] =	dma.local [hbm:s5], s20  }
0x9e: {  	_ =	swait.ge [sflag:s22], s20  }
0x9f: {  	s4 =	ssub.s32 $0x0, s20;
	[sflag:s22] =	ssyncset.done $0x0  }
0xa0: {  	[sflag:s22] =	ssyncadd.s32 s4;
	_ =	sdelay $0x1  }
0xa1: {  	s23 =	simm.s32 $0x1B8B  }
0xa2: {  	_ =	swait.ge [sflag:s23], $0x1  }
0xa3: {  	[sflag:s23] =	ssyncset.done $0x0  }
0xa4: {  	s25 =	simm.s32 $0x1B8E;
	s24 =	sld [smem:$0x3FFE];
	[sflag:s23] =	ssyncadd.s32 $0xFFFFFFFF  }
0xa5: {  	s26 =	simm.s32 $execute0_lowered;
	[smem:$0x3FD2] =	sst s25  }
0xa6: {  	s5 =	sshll.u32 s26, $0x1;
	_ =	strace $0x80000046;
	[dreg:$0x1] =	wrdreg $0xFFFFFFFF  }
0xa7: {  	s28 =	simm.s32 $_size_execute0_lowered;
	s3 =	sadd.s32 s3, s5;
	[dreg:$0x0] =	wrdreg $0x0  }
0xa8: {  	s5 =	sshll.u32 s28, $0x1;
	[dreg:$0x2] =	wrdreg s3  }
0xa9: {  	[dreg:$0x3] =	wrdreg s5  }
0xaa: {  	[dreg:$0x4] =	wrdreg $0xC0  }
0xab: {  	_ =	task [dreg:s7], $0x5FFFF  }
0xac: {  	[dreg:$0x1] =	wrdreg $0xFFFFFFFF  }
0xad: {  	[dreg:$0x0] =	wrdreg $0x60  }
0xae: {  	[dreg:$0x2] =	wrdreg s24  }
0xaf: {  	[dreg:$0x3] =	wrdreg s2  }
0xb0: {  	[dreg:$0x4] =	wrdreg $0x9  }
0xb1: {  	_ =	task.clear_ibuf [dreg:s7], $0x5FFFF;
	_ =	strace $0x90000046  }
0xb2: {  	s29 =	simm.s32 $0x9;
	_ =	strace $0x80000048  }
0xb3: {  	_ =	swait.ge [sflag:s29], $0x1  }
0xb4: {  	[sflag:s29] =	ssyncadd.s32 $0xFFFFFFFF  }
0xb5: {  	_ =	strace $0x90000048  }
0xb6: {  	_ =	sfence  }
0xb7: {  	s30 =	sld [smem:$0x0];
	_ =	sdelay $0x2  }
0xb8: {  	s31 =	sshll.u32 s1, $0xD;
	s1 =	sshrl.u32 s1, $0x2  }
0xb9: {  	s3 =	sand.u32 $0x4000, s31;
	s1 =	sadd.s32 s1, s30  }
0xba: {  	s0 =	sor.u32 s3, s0;
	s1 =	sshll.u32 s1, $0x11  }
0xbb: {  	s0 =	sor.u32 s1, s0  }
0xbc: {  	s0 =	sadd.s32 $0x8F2B, s0  }
0xbd: {  	[sflag:s0] =	ssyncadd.remote.s32 $0x1  }
0xbe: {  	_ =	sfence.sel $0xFFFF  }
0xbf: {  	[dreg:$0x0] =	wrdreg $0xFFFFFFFF;
	(pc) =	sbr.abs _section_cstart, $3  }
0xc0: {  	[dreg:$0x1] =	wrdreg $0xFFFFFFFF  }
0xc1: {  	_ =	task.clear_ibuf [dreg:s7], $0x2FFFF;
	_ =	strace $0x9FFFFFFF  }
0xc2: {  	(tm) =	ssettm $0x7FFFFFFF  }
0xc3: {  	_ =	shalt  }
tec
execute0_lowered:
.L_overlay_start_1:
0x0: {  	(tag) =	ssettag $0x1  }
0x1: {  	s0 =	srdreg.scid;
	s1 =	rddreg [dreg:$0x0]  }
0x2: {  	s2 =	stileid.u32;
	s5 =	rddreg [dreg:$0x1];
	s8 =	simm.s32 $0x32  }
0x3: {  	s16 =	simm.s32 $0xE0;
	s17 =	simm.s32 $0x4E00;
	s18 =	simm.s32 $0x118  }
0x4: {  	s19 =	simm.s32 $0x5A80;
	s20 =	simm.s32 $0x150;
	s21 =	simm.s32 $0x6700  }
0x5: {  	s22 =	simm.s32 $0x188;
	s23 =	simm.s32 $0x7380;
	s24 =	simm.s32 $0x1  }
0x6: {  	s25 =	simm.s32 $0x2;
	s28 =	simm.s32 $0x4;
	s29 =	simm.s32 $0x5  }
0x7: {  	s30 =	simm.s32 $0x6;
	s31 =	simm.s32 $0x7;
	s0 =	sand.u32 $0x1, s0  }
0x8: {  	s9 =	simm.s32 $0x0;
	s2 =	sshll.u32 s2, $0x8;
	s3 =	sshll.u32 s0, $0x7  }
0x9: {  	s0 =	ssub.s32 $0x2, s0;
	s4 =	sor.u32 s3, s2;
	s2 =	simm.s32 $0x0  }
0xa: {  	s7 =	sshrl.u32 s0, $0x1;
	s3 =	smul.u32 $0x7, s4;
	[smem:$0x7FF] =	sst s2  }
0xb: {  	s0 =	ssub.s32 s0, s7;
	s26 =	sshll.u32 s4, $0x3;
	s7 =	simm.s32 $0x9  }
0xc: {  	_ =	strace $0x80000047;
	s5 =	sadd.s32 s5, s26;
	s26 =	simm.s32 $0x3  }
0xd: {  	s6 =	sadd.s32 s3, s1;
	s3 =	sadd.s32 $0xF42A00, s1;
	s1 =	simm.s32 $0x8  }
0xe: {  	s4 =	sadd.s32 $0x600, s6;
	s6 =	smax.u32 s0, $0x1;
	s0 =	simm.s32 $0x8000  }
.LBB2_1:
0xf: {  	[tilespmem:s2], [sflag:$0x9] =	stream.linear.gather [hbm4b:s4+s2], $0x1C00, $0x38;
	[tilespmem:$0xA000] =	vst v63  }
0x10: {  	_ =	swait.ge [sflag:s7], $0x1C00  }
0x11: {  	[sflag:s7] =	ssyncset.done $0x0  }
0x12: {  	s10 =	simm.s32 $0x1C00;
	[sflag:s7] =	ssyncadd.s32 $0xFFFFE400  }
0x13: {  	[tilespmem:s10], [sflag:$0x1] =	stream.indirect.gather [hbm4b:s3+s8], $0x40, s2, s8, $0xb8;
	[tilespmem:$0xA000] =	vst v63  }
0x14: {  	s15 =	simm.s32 $0x38;
	s11 =	simm.s32 $0x2880  }
0x15: {  	[tilespmem:s11], [sflag:$0x2] =	stream.indirect.gather [hbm4b:s3+s8], $0x40, s15, s8, $0xb8;
	[tilespmem:$0xA000] =	vst v63  }
0x16: {  	s12 =	simm.s32 $0x70;
	s13 =	simm.s32 $0x3500  }
0x17: {  	[tilespmem:s13], [sflag:$0x3] =	stream.indirect.gather [hbm4b:s3+s8], $0x40, s12, s8, $0xb8;
	[tilespmem:$0xA000] =	vst v63  }
0x18: {  	s14 =	simm.s32 $0xA8;
	s15 =	simm.s32 $0x4180  }
0x19: {  	[tilespmem:s15], [sflag:$0x4] =	stream.indirect.gather [hbm4b:s3+s8], $0x40, s14, s8, $0xb8;
	[tilespmem:$0xA000] =	vst v63  }
0x1a: {  	_ = 	snop  }
0x1b: {  	[tilespmem:s17], [sflag:$0x5] =	stream.indirect.gather [hbm4b:s3+s8], $0x40, s16, s8, $0xb8;
	[tilespmem:$0xA000] =	vst v63  }
0x1c: {  	_ = 	snop  }
0x1d: {  	[tilespmem:s19], [sflag:$0x6] =	stream.indirect.gather [hbm4b:s3+s8], $0x40, s18, s8, $0xb8;
	[tilespmem:$0xA000] =	vst v63  }
0x1e: {  	_ = 	snop  }
0x1f: {  	[tilespmem:s21], [sflag:$0x7] =	stream.indirect.gather [hbm4b:s3+s8], $0x40, s20, s8, $0xb8;
	[tilespmem:$0xA000] =	vst v63  }
0x20: {  	s10 =	simm.s32 $0x0  }
0x21: {  	[tilespmem:s23], [sflag:$0x8] =	stream.indirect.gather [hbm4b:s3+s8], $0x40, s22, s8, $0xb8;
	[tilespmem:$0xA000] =	vst v63  }
.LBB2_2:
0x22: {  	_ =	swait.ge [sflag:s24], $0xC80  }
0x23: {  	[sflag:s24] =	ssyncset.done $0x0  }
0x24: {  	s11 =	simm.s32 $0x0;
	[sflag:s24] =	ssyncadd.s32 $0xFFFFF380  }
0x25: {  	v1 =	vld [tilespmem:s11+$0x1C40]  }
0x26: {  	v0 =	vld [tilespmem:s11+$0x1C50]  }
0x27: {  	v2 =	vld [tilespmem:s11+$0x1C00]  }
0x28: {  	v6 =	vimm.f32 $0.0e+00;
	v3 =	vld [tilespmem:s11+$0x1C10]  }
0x29: {  	s12 =	simm.s32 $0x200;
	v7 =	vimm.f32 $0.0e+00;
	v8 =	vimm.f32 $0.0e+00;
	v5 =	vimm.f32 $0.0e+00;
	v4 =	vld [tilespmem:s11+$0x1C20]  }
.LBB2_3:
0x2a: {  	p0 =	sne.s32 s12, $0x3000;
	v9 =	vld [tilespmem:s11+$0x1C30];
	v10 =	vmov v1  }
0x2b: {  	v11 =	vld [tilespmem:s11+$0x1C60];
	v12 =	vmov v0  }
0x2c: {  	v13 =	vld [tilespmem:s11+$0x1C70];
	s11 =	sshra.s32 s12, $0x2  }
.Ltmp0:
0x2d: {  	v1 =	vld [tilespmem:s11+$0x1C40];
	(pc) =	sbr.rel @p0 .LBB2_3-.Ltmp0, $4  }
0x2e: {  	v6 =	vadd.f32 v2, v6;
	v7 =	vadd.f32 v3, v7;
	v0 =	vld [tilespmem:s11+$0x1C50]  }
0x2f: {  	v8 =	vadd.f32 v4, v8;
	v2 =	vld [tilespmem:s11+$0x1C00];
	v5 =	vadd.f32 v9, v5  }
0x30: {  	v6 =	vadd.f32 v10, v6;
	v7 =	vadd.f32 v12, v7;
	v3 =	vld [tilespmem:s11+$0x1C10]  }
0x31: {  	s12 =	sadd.s32 $0x200, s12;
	v8 =	vadd.f32 v11, v8;
	v4 =	vld [tilespmem:s11+$0x1C20];
	v5 =	vadd.f32 v13, v5  }
0x32: {  	v9 =	vld [tilespmem:s11+$0x1C30]  }
0x33: {  	p0 =	seq.s32 s10, $0xF;
	v10 =	vld [tilespmem:s11+$0x1C60]  }
0x34: {  	v11 =	vld [tilespmem:s11+$0x1C70];
	s12 =	smul.u32 @!p0 $0x700, s10;
	v2 =	vadd.f32 v2, v6  }
0x35: {  	v3 =	vadd.f32 v3, v7  }
0x36: {  	s15 =	sshll.u32 s10, $0x9;
	s12 =	sshra.s32 @!p0 s12, $0x2;
	v4 =	vadd.f32 v4, v8;
	v1 =	vadd.f32 v1, v2  }
0x37: {  	s13 =	simm.s32 @!p0 $0x32;
	s14 =	simm.s32 @!p0 $0x1C00;
	s11 =	sadd.s32 @!p0 $0x1C0, s12;
	v2 =	vadd.f32 v9, v5;
	v0 =	vadd.f32 v0, v3  }
0x38: {  	[tilespmem:s14], [sflag:$0x1] =	stream.indirect.gather @!p0 [hbm4b:s3+s13], $0x40, s11, s13, $0xb8;
	v3 =	vadd.f32 v10, v4;
	v1 =	vmul.f32 $1.999999960e-02, v1;
	[tilespmem:$0xA000] =	vst v63  }
0x39: {  	s11 =	sand.u32 $0x3FFFFE00, s15;
	v2 =	vadd.f32 v11, v2;
	v0 =	vmul.f32 $1.999999960e-02, v0  }
0x3a: {  	[tilespmem:s11+$0x8000] =	vst v1;
	v1 =	vmul.f32 $1.999999960e-02, v3  }
0x3b: {  	[tilespmem:s11+$0x8010] =	vst v0;
	v0 =	vmul.f32 $1.999999960e-02, v2  }
0x3c: {  	[tilespmem:s11+$0x8020] =	vst v1  }
0x3d: {  	[tilespmem:s11+$0x8030] =	vst v0  }
0x3e: {  	_ =	swait.ge [sflag:s25], $0xC80  }
0x3f: {  	[sflag:s25] =	ssyncset.done $0x0  }
0x40: {  	s13 =	simm.s32 $0x0;
	[sflag:s25] =	ssyncadd.s32 $0xFFFFF380  }
0x41: {  	v1 =	vld [tilespmem:s13+$0x28C0]  }
0x42: {  	v0 =	vld [tilespmem:s13+$0x28D0]  }
0x43: {  	v2 =	vld [tilespmem:s13+$0x2880]  }
0x44: {  	v6 =	vimm.f32 $0.0e+00;
	v3 =	vld [tilespmem:s13+$0x2890]  }
0x45: {  	v7 =	vimm.f32 $0.0e+00;
	v8 =	vimm.f32 $0.0e+00;
	v5 =	vimm.f32 $0.0e+00;
	s14 =	simm.s32 $0x200;
	v4 =	vld [tilespmem:s13+$0x28A0]  }
.LBB2_5:
0x46: {  	p1 =	sne.s32 s14, $0x3000;
	v9 =	vld [tilespmem:s13+$0x28B0];
	v10 =	vmov v1  }
0x47: {  	v11 =	vld [tilespmem:s13+$0x28E0];
	v12 =	vmov v0  }
0x48: {  	v13 =	vld [tilespmem:s13+$0x28F0];
	s13 =	sshra.s32 s14, $0x2  }
.Ltmp1:
0x49: {  	v1 =	vld [tilespmem:s13+$0x28C0];
	(pc) =	sbr.rel @p1 .LBB2_5-.Ltmp1, $4  }
0x4a: {  	v5 =	vadd.f32 v2, v5;
	v6 =	vadd.f32 v3, v6;
	v0 =	vld [tilespmem:s13+$0x28D0]  }
0x4b: {  	v8 =	vadd.f32 v4, v8;
	v2 =	vld [tilespmem:s13+$0x2880];
	v7 =	vadd.f32 v9, v7  }
0x4c: {  	v5 =	vadd.f32 v10, v5;
	v6 =	vadd.f32 v12, v6;
	v3 =	vld [tilespmem:s13+$0x2890]  }
0x4d: {  	s14 =	sadd.s32 $0x200, s14;
	v8 =	vadd.f32 v11, v8;
	v4 =	vld [tilespmem:s13+$0x28A0];
	v7 =	vadd.f32 v13, v7  }
0x4e: {  	v9 =	vld [tilespmem:s13+$0x28B0]  }
0x4f: {  	v10 =	vld [tilespmem:s13+$0x28E0]  }
0x50: {  	v11 =	vld [tilespmem:s13+$0x28F0];
	v2 =	vadd.f32 v2, v5  }
0x51: {  	v3 =	vadd.f32 v3, v6  }
0x52: {  	v4 =	vadd.f32 v4, v8;
	v1 =	vadd.f32 v1, v2  }
0x53: {  	v2 =	vadd.f32 v9, v7;
	v0 =	vadd.f32 v0, v3  }
0x54: {  	s13 =	sadd.s32 @!p0 $0x1F8, s12;
	s14 =	simm.s32 @!p0 $0x32;
	s15 =	simm.s32 @!p0 $0x2880;
	v3 =	vadd.f32 v10, v4;
	v1 =	vmul.f32 $1.999999960e-02, v1  }
0x55: {  	[tilespmem:s15], [sflag:$0x2] =	stream.indirect.gather @!p0 [hbm4b:s3+s14], $0x40, s13, s14, $0xb8;
	v2 =	vadd.f32 v11, v2;
	v0 =	vmul.f32 $1.999999960e-02, v0;
	[tilespmem:$0xA000] =	vst v63  }
0x56: {  	[tilespmem:s11+$0x8040] =	vst v1;
	v1 =	vmul.f32 $1.999999960e-02, v3  }
0x57: {  	[tilespmem:s11+$0x8050] =	vst v0;
	v0 =	vmul.f32 $1.999999960e-02, v2  }
0x58: {  	[tilespmem:s11+$0x8060] =	vst v1  }
0x59: {  	[tilespmem:s11+$0x8070] =	vst v0  }
0x5a: {  	_ =	swait.ge [sflag:s26], $0xC80  }
0x5b: {  	[sflag:s26] =	ssyncset.done $0x0  }
0x5c: {  	s13 =	simm.s32 $0x0;
	[sflag:s26] =	ssyncadd.s32 $0xFFFFF380  }
0x5d: {  	v1 =	vld [tilespmem:s13+$0x3540]  }
0x5e: {  	v0 =	vld [tilespmem:s13+$0x3550]  }
0x5f: {  	v2 =	vld [tilespmem:s13+$0x3500]  }
0x60: {  	v5 =	vimm.f32 $0.0e+00;
	v3 =	vld [tilespmem:s13+$0x3510]  }
0x61: {  	s14 =	simm.s32 $0x200;
	v6 =	vimm.f32 $0.0e+00;
	v8 =	vimm.f32 $0.0e+00;
	v7 =	vimm.f32 $0.0e+00;
	v4 =	vld [tilespmem:s13+$0x3520]  }
.LBB2_7:
0x62: {  	p1 =	sne.s32 s14, $0x3000;
	v9 =	vld [tilespmem:s13+$0x3530];
	v10 =	vmov v1  }
0x63: {  	v11 =	vld [tilespmem:s13+$0x3560];
	v12 =	vmov v0  }
0x64: {  	v13 =	vld [tilespmem:s13+$0x3570];
	s13 =	sshra.s32 s14, $0x2  }
.Ltmp2:
0x65: {  	v1 =	vld [tilespmem:s13+$0x3540];
	(pc) =	sbr.rel @p1 .LBB2_7-.Ltmp2, $4  }
0x66: {  	v5 =	vadd.f32 v2, v5;
	v6 =	vadd.f32 v3, v6;
	v0 =	vld [tilespmem:s13+$0x3550]  }
0x67: {  	v8 =	vadd.f32 v4, v8;
	v2 =	vld [tilespmem:s13+$0x3500];
	v7 =	vadd.f32 v9, v7  }
0x68: {  	v5 =	vadd.f32 v10, v5;
	v6 =	vadd.f32 v12, v6;
	v3 =	vld [tilespmem:s13+$0x3510]  }
0x69: {  	s14 =	sadd.s32 $0x200, s14;
	v8 =	vadd.f32 v11, v8;
	v4 =	vld [tilespmem:s13+$0x3520];
	v7 =	vadd.f32 v13, v7  }
0x6a: {  	v9 =	vld [tilespmem:s13+$0x3530]  }
0x6b: {  	v10 =	vld [tilespmem:s13+$0x3560]  }
0x6c: {  	v11 =	vld [tilespmem:s13+$0x3570];
	v2 =	vadd.f32 v2, v5  }
0x6d: {  	v3 =	vadd.f32 v3, v6  }
0x6e: {  	v4 =	vadd.f32 v4, v8;
	v1 =	vadd.f32 v1, v2  }
0x6f: {  	v2 =	vadd.f32 v9, v7;
	v0 =	vadd.f32 v0, v3  }
0x70: {  	s13 =	sadd.s32 @!p0 $0x230, s12;
	s14 =	simm.s32 @!p0 $0x32;
	s15 =	simm.s32 @!p0 $0x3500;
	v3 =	vadd.f32 v10, v4;
	v1 =	vmul.f32 $1.999999960e-02, v1  }
0x71: {  	[tilespmem:s15], [sflag:$0x3] =	stream.indirect.gather @!p0 [hbm4b:s3+s14], $0x40, s13, s14, $0xb8;
	v2 =	vadd.f32 v11, v2;
	v0 =	vmul.f32 $1.999999960e-02, v0;
	[tilespmem:$0xA000] =	vst v63  }
0x72: {  	[tilespmem:s11+$0x8080] =	vst v1;
	v1 =	vmul.f32 $1.999999960e-02, v3  }
0x73: {  	[tilespmem:s11+$0x8090] =	vst v0;
	v0 =	vmul.f32 $1.999999960e-02, v2  }
0x74: {  	[tilespmem:s11+$0x80A0] =	vst v1  }
0x75: {  	[tilespmem:s11+$0x80B0] =	vst v0  }
0x76: {  	_ =	swait.ge [sflag:s28], $0xC80  }
0x77: {  	[sflag:s28] =	ssyncset.done $0x0  }
0x78: {  	s13 =	simm.s32 $0x0;
	[sflag:s28] =	ssyncadd.s32 $0xFFFFF380  }
0x79: {  	v1 =	vld [tilespmem:s13+$0x41C0]  }
0x7a: {  	v0 =	vld [tilespmem:s13+$0x41D0]  }
0x7b: {  	v2 =	vld [tilespmem:s13+$0x4180]  }
0x7c: {  	v5 =	vimm.f32 $0.0e+00;
	v3 =	vld [tilespmem:s13+$0x4190]  }
0x7d: {  	s14 =	simm.s32 $0x200;
	v6 =	vimm.f32 $0.0e+00;
	v8 =	vimm.f32 $0.0e+00;
	v7 =	vimm.f32 $0.0e+00;
	v4 =	vld [tilespmem:s13+$0x41A0]  }
.LBB2_9:
0x7e: {  	p1 =	sne.s32 s14, $0x3000;
	v9 =	vld [tilespmem:s13+$0x41B0];
	v10 =	vmov v1  }
0x7f: {  	v11 =	vld [tilespmem:s13+$0x41E0];
	v12 =	vmov v0  }
0x80: {  	v13 =	vld [tilespmem:s13+$0x41F0];
	s13 =	sshra.s32 s14, $0x2  }
.Ltmp3:
0x81: {  	v1 =	vld [tilespmem:s13+$0x41C0];
	(pc) =	sbr.rel @p1 .LBB2_9-.Ltmp3, $4  }
0x82: {  	v5 =	vadd.f32 v2, v5;
	v6 =	vadd.f32 v3, v6;
	v0 =	vld [tilespmem:s13+$0x41D0]  }
0x83: {  	v8 =	vadd.f32 v4, v8;
	v2 =	vld [tilespmem:s13+$0x4180];
	v7 =	vadd.f32 v9, v7  }
0x84: {  	v5 =	vadd.f32 v10, v5;
	v6 =	vadd.f32 v12, v6;
	v3 =	vld [tilespmem:s13+$0x4190]  }
0x85: {  	s14 =	sadd.s32 $0x200, s14;
	v8 =	vadd.f32 v11, v8;
	v4 =	vld [tilespmem:s13+$0x41A0];
	v7 =	vadd.f32 v13, v7  }
0x86: {  	v9 =	vld [tilespmem:s13+$0x41B0]  }
0x87: {  	v10 =	vld [tilespmem:s13+$0x41E0]  }
0x88: {  	v11 =	vld [tilespmem:s13+$0x41F0];
	v2 =	vadd.f32 v2, v5  }
0x89: {  	v3 =	vadd.f32 v3, v6  }
0x8a: {  	v4 =	vadd.f32 v4, v8;
	v1 =	vadd.f32 v1, v2  }
0x8b: {  	v2 =	vadd.f32 v9, v7;
	v0 =	vadd.f32 v0, v3  }
0x8c: {  	s13 =	sadd.s32 @!p0 $0x268, s12;
	s14 =	simm.s32 @!p0 $0x32;
	s15 =	simm.s32 @!p0 $0x4180;
	v3 =	vadd.f32 v10, v4;
	v1 =	vmul.f32 $1.999999960e-02, v1  }
0x8d: {  	[tilespmem:s15], [sflag:$0x4] =	stream.indirect.gather @!p0 [hbm4b:s3+s14], $0x40, s13, s14, $0xb8;
	v2 =	vadd.f32 v11, v2;
	v0 =	vmul.f32 $1.999999960e-02, v0;
	[tilespmem:$0xA000] =	vst v63  }
0x8e: {  	[tilespmem:s11+$0x80C0] =	vst v1;
	v1 =	vmul.f32 $1.999999960e-02, v3  }
0x8f: {  	[tilespmem:s11+$0x80D0] =	vst v0;
	v0 =	vmul.f32 $1.999999960e-02, v2  }
0x90: {  	[tilespmem:s11+$0x80E0] =	vst v1  }
0x91: {  	[tilespmem:s11+$0x80F0] =	vst v0  }
0x92: {  	_ =	swait.ge [sflag:s29], $0xC80  }
0x93: {  	[sflag:s29] =	ssyncset.done $0x0  }
0x94: {  	s13 =	simm.s32 $0x0;
	[sflag:s29] =	ssyncadd.s32 $0xFFFFF380  }
0x95: {  	v1 =	vld [tilespmem:s13+$0x4E40]  }
0x96: {  	v0 =	vld [tilespmem:s13+$0x4E50]  }
0x97: {  	v2 =	vld [tilespmem:s13+$0x4E00]  }
0x98: {  	v5 =	vimm.f32 $0.0e+00;
	v3 =	vld [tilespmem:s13+$0x4E10]  }
0x99: {  	s14 =	simm.s32 $0x200;
	v6 =	vimm.f32 $0.0e+00;
	v8 =	vimm.f32 $0.0e+00;
	v7 =	vimm.f32 $0.0e+00;
	v4 =	vld [tilespmem:s13+$0x4E20]  }
.LBB2_11:
0x9a: {  	p1 =	sne.s32 s14, $0x3000;
	v9 =	vld [tilespmem:s13+$0x4E30];
	v10 =	vmov v1  }
0x9b: {  	v11 =	vld [tilespmem:s13+$0x4E60];
	v12 =	vmov v0  }
0x9c: {  	v13 =	vld [tilespmem:s13+$0x4E70];
	s13 =	sshra.s32 s14, $0x2  }
.Ltmp4:
0x9d: {  	v1 =	vld [tilespmem:s13+$0x4E40];
	(pc) =	sbr.rel @p1 .LBB2_11-.Ltmp4, $4  }
0x9e: {  	v5 =	vadd.f32 v2, v5;
	v6 =	vadd.f32 v3, v6;
	v0 =	vld [tilespmem:s13+$0x4E50]  }
0x9f: {  	v8 =	vadd.f32 v4, v8;
	v2 =	vld [tilespmem:s13+$0x4E00];
	v7 =	vadd.f32 v9, v7  }
0xa0: {  	v5 =	vadd.f32 v10, v5;
	v6 =	vadd.f32 v12, v6;
	v3 =	vld [tilespmem:s13+$0x4E10]  }
0xa1: {  	s14 =	sadd.s32 $0x200, s14;
	v8 =	vadd.f32 v11, v8;
	v4 =	vld [tilespmem:s13+$0x4E20];
	v7 =	vadd.f32 v13, v7  }
0xa2: {  	v9 =	vld [tilespmem:s13+$0x4E30]  }
0xa3: {  	v10 =	vld [tilespmem:s13+$0x4E60]  }
0xa4: {  	v11 =	vld [tilespmem:s13+$0x4E70];
	v2 =	vadd.f32 v2, v5  }
0xa5: {  	v3 =	vadd.f32 v3, v6  }
0xa6: {  	v4 =	vadd.f32 v4, v8;
	v1 =	vadd.f32 v1, v2  }
0xa7: {  	v2 =	vadd.f32 v9, v7;
	v0 =	vadd.f32 v0, v3  }
0xa8: {  	s13 =	sadd.s32 @!p0 $0x2A0, s12;
	s14 =	simm.s32 @!p0 $0x32;
	s15 =	simm.s32 @!p0 $0x4E00;
	v3 =	vadd.f32 v10, v4;
	v1 =	vmul.f32 $1.999999960e-02, v1  }
0xa9: {  	[tilespmem:s15], [sflag:$0x5] =	stream.indirect.gather @!p0 [hbm4b:s3+s14], $0x40, s13, s14, $0xb8;
	v2 =	vadd.f32 v11, v2;
	v0 =	vmul.f32 $1.999999960e-02, v0;
	[tilespmem:$0xA000] =	vst v63  }
0xaa: {  	[tilespmem:s11+$0x8100] =	vst v1;
	v1 =	vmul.f32 $1.999999960e-02, v3  }
0xab: {  	[tilespmem:s11+$0x8110] =	vst v0;
	v0 =	vmul.f32 $1.999999960e-02, v2  }
0xac: {  	[tilespmem:s11+$0x8120] =	vst v1  }
0xad: {  	[tilespmem:s11+$0x8130] =	vst v0  }
0xae: {  	_ =	swait.ge [sflag:s30], $0xC80  }
0xaf: {  	[sflag:s30] =	ssyncset.done $0x0  }
0xb0: {  	s13 =	simm.s32 $0x0;
	[sflag:s30] =	ssyncadd.s32 $0xFFFFF380  }
0xb1: {  	v1 =	vld [tilespmem:s13+$0x5AC0]  }
0xb2: {  	v0 =	vld [tilespmem:s13+$0x5AD0]  }
0xb3: {  	v2 =	vld [tilespmem:s13+$0x5A80]  }
0xb4: {  	v5 =	vimm.f32 $0.0e+00;
	v3 =	vld [tilespmem:s13+$0x5A90]  }
0xb5: {  	s14 =	simm.s32 $0x200;
	v6 =	vimm.f32 $0.0e+00;
	v8 =	vimm.f32 $0.0e+00;
	v7 =	vimm.f32 $0.0e+00;
	v4 =	vld [tilespmem:s13+$0x5AA0]  }
.LBB2_13:
0xb6: {  	p1 =	sne.s32 s14, $0x3000;
	v9 =	vld [tilespmem:s13+$0x5AB0];
	v10 =	vmov v1  }
0xb7: {  	v11 =	vld [tilespmem:s13+$0x5AE0];
	v12 =	vmov v0  }
0xb8: {  	v13 =	vld [tilespmem:s13+$0x5AF0];
	s13 =	sshra.s32 s14, $0x2  }
.Ltmp5:
0xb9: {  	v1 =	vld [tilespmem:s13+$0x5AC0];
	(pc) =	sbr.rel @p1 .LBB2_13-.Ltmp5, $4  }
0xba: {  	v5 =	vadd.f32 v2, v5;
	v6 =	vadd.f32 v3, v6;
	v0 =	vld [tilespmem:s13+$0x5AD0]  }
0xbb: {  	v8 =	vadd.f32 v4, v8;
	v2 =	vld [tilespmem:s13+$0x5A80];
	v7 =	vadd.f32 v9, v7  }
0xbc: {  	v5 =	vadd.f32 v10, v5;
	v6 =	vadd.f32 v12, v6;
	v3 =	vld [tilespmem:s13+$0x5A90]  }
0xbd: {  	s14 =	sadd.s32 $0x200, s14;
	v8 =	vadd.f32 v11, v8;
	v4 =	vld [tilespmem:s13+$0x5AA0];
	v7 =	vadd.f32 v13, v7  }
0xbe: {  	v9 =	vld [tilespmem:s13+$0x5AB0]  }
0xbf: {  	v10 =	vld [tilespmem:s13+$0x5AE0]  }
0xc0: {  	v11 =	vld [tilespmem:s13+$0x5AF0];
	v2 =	vadd.f32 v2, v5  }
0xc1: {  	v3 =	vadd.f32 v3, v6  }
0xc2: {  	v4 =	vadd.f32 v4, v8;
	v1 =	vadd.f32 v1, v2  }
0xc3: {  	v2 =	vadd.f32 v9, v7;
	v0 =	vadd.f32 v0, v3  }
0xc4: {  	s13 =	sadd.s32 @!p0 $0x2D8, s12;
	s14 =	simm.s32 @!p0 $0x32;
	s15 =	simm.s32 @!p0 $0x5A80;
	v3 =	vadd.f32 v10, v4;
	v1 =	vmul.f32 $1.999999960e-02, v1  }
0xc5: {  	[tilespmem:s15], [sflag:$0x6] =	stream.indirect.gather @!p0 [hbm4b:s3+s14], $0x40, s13, s14, $0xb8;
	v2 =	vadd.f32 v11, v2;
	v0 =	vmul.f32 $1.999999960e-02, v0;
	[tilespmem:$0xA000] =	vst v63  }
0xc6: {  	[tilespmem:s11+$0x8140] =	vst v1;
	v1 =	vmul.f32 $1.999999960e-02, v3  }
0xc7: {  	[tilespmem:s11+$0x8150] =	vst v0;
	v0 =	vmul.f32 $1.999999960e-02, v2  }
0xc8: {  	[tilespmem:s11+$0x8160] =	vst v1  }
0xc9: {  	[tilespmem:s11+$0x8170] =	vst v0  }
0xca: {  	_ =	swait.ge [sflag:s31], $0xC80  }
0xcb: {  	[sflag:s31] =	ssyncset.done $0x0  }
0xcc: {  	s13 =	simm.s32 $0x0;
	[sflag:s31] =	ssyncadd.s32 $0xFFFFF380  }
0xcd: {  	v1 =	vld [tilespmem:s13+$0x6740]  }
0xce: {  	v0 =	vld [tilespmem:s13+$0x6750]  }
0xcf: {  	v2 =	vld [tilespmem:s13+$0x6700]  }
0xd0: {  	v5 =	vimm.f32 $0.0e+00;
	v3 =	vld [tilespmem:s13+$0x6710]  }
0xd1: {  	s14 =	simm.s32 $0x200;
	v6 =	vimm.f32 $0.0e+00;
	v8 =	vimm.f32 $0.0e+00;
	v7 =	vimm.f32 $0.0e+00;
	v4 =	vld [tilespmem:s13+$0x6720]  }
.LBB2_15:
0xd2: {  	p1 =	sne.s32 s14, $0x3000;
	v9 =	vld [tilespmem:s13+$0x6730];
	v10 =	vmov v1  }
0xd3: {  	v11 =	vld [tilespmem:s13+$0x6760];
	v12 =	vmov v0  }
0xd4: {  	v13 =	vld [tilespmem:s13+$0x6770];
	s13 =	sshra.s32 s14, $0x2  }
.Ltmp6:
0xd5: {  	v1 =	vld [tilespmem:s13+$0x6740];
	(pc) =	sbr.rel @p1 .LBB2_15-.Ltmp6, $4  }
0xd6: {  	v5 =	vadd.f32 v2, v5;
	v6 =	vadd.f32 v3, v6;
	v0 =	vld [tilespmem:s13+$0x6750]  }
0xd7: {  	v8 =	vadd.f32 v4, v8;
	v2 =	vld [tilespmem:s13+$0x6700];
	v7 =	vadd.f32 v9, v7  }
0xd8: {  	v5 =	vadd.f32 v10, v5;
	v6 =	vadd.f32 v12, v6;
	v3 =	vld [tilespmem:s13+$0x6710]  }
0xd9: {  	s14 =	sadd.s32 $0x200, s14;
	v8 =	vadd.f32 v11, v8;
	v4 =	vld [tilespmem:s13+$0x6720];
	v7 =	vadd.f32 v13, v7  }
0xda: {  	v9 =	vld [tilespmem:s13+$0x6730]  }
0xdb: {  	v10 =	vld [tilespmem:s13+$0x6760]  }
0xdc: {  	v11 =	vld [tilespmem:s13+$0x6770];
	v2 =	vadd.f32 v2, v5  }
0xdd: {  	v3 =	vadd.f32 v3, v6  }
0xde: {  	v4 =	vadd.f32 v4, v8;
	v1 =	vadd.f32 v1, v2  }
0xdf: {  	v2 =	vadd.f32 v9, v7;
	v0 =	vadd.f32 v0, v3  }
0xe0: {  	s13 =	sadd.s32 @!p0 $0x310, s12;
	s14 =	simm.s32 @!p0 $0x32;
	s15 =	simm.s32 @!p0 $0x6700;
	v3 =	vadd.f32 v10, v4;
	v1 =	vmul.f32 $1.999999960e-02, v1  }
0xe1: {  	[tilespmem:s15], [sflag:$0x7] =	stream.indirect.gather @!p0 [hbm4b:s3+s14], $0x40, s13, s14, $0xb8;
	v2 =	vadd.f32 v11, v2;
	v0 =	vmul.f32 $1.999999960e-02, v0;
	[tilespmem:$0xA000] =	vst v63  }
0xe2: {  	[tilespmem:s11+$0x8180] =	vst v1;
	v1 =	vmul.f32 $1.999999960e-02, v3  }
0xe3: {  	[tilespmem:s11+$0x8190] =	vst v0;
	v0 =	vmul.f32 $1.999999960e-02, v2  }
0xe4: {  	[tilespmem:s11+$0x81A0] =	vst v1  }
0xe5: {  	[tilespmem:s11+$0x81B0] =	vst v0  }
0xe6: {  	_ =	swait.ge [sflag:s1], $0xC80  }
0xe7: {  	[sflag:s1] =	ssyncset.done $0x0  }
0xe8: {  	s13 =	simm.s32 $0x0;
	[sflag:s1] =	ssyncadd.s32 $0xFFFFF380  }
0xe9: {  	v1 =	vld [tilespmem:s13+$0x73C0]  }
0xea: {  	v0 =	vld [tilespmem:s13+$0x73D0]  }
0xeb: {  	v2 =	vld [tilespmem:s13+$0x7380]  }
0xec: {  	v5 =	vimm.f32 $0.0e+00;
	v3 =	vld [tilespmem:s13+$0x7390]  }
0xed: {  	s14 =	simm.s32 $0x200;
	v6 =	vimm.f32 $0.0e+00;
	v8 =	vimm.f32 $0.0e+00;
	v7 =	vimm.f32 $0.0e+00;
	v4 =	vld [tilespmem:s13+$0x73A0]  }
.LBB2_17:
0xee: {  	p1 =	sne.s32 s14, $0x3000;
	v9 =	vld [tilespmem:s13+$0x73B0];
	v10 =	vmov v1  }
0xef: {  	v11 =	vld [tilespmem:s13+$0x73E0];
	v12 =	vmov v0  }
0xf0: {  	v13 =	vld [tilespmem:s13+$0x73F0];
	s13 =	sshra.s32 s14, $0x2  }
.Ltmp7:
0xf1: {  	v1 =	vld [tilespmem:s13+$0x73C0];
	(pc) =	sbr.rel @p1 .LBB2_17-.Ltmp7, $4  }
0xf2: {  	v5 =	vadd.f32 v2, v5;
	v6 =	vadd.f32 v3, v6;
	v0 =	vld [tilespmem:s13+$0x73D0]  }
0xf3: {  	v8 =	vadd.f32 v4, v8;
	v2 =	vld [tilespmem:s13+$0x7380];
	v7 =	vadd.f32 v9, v7  }
0xf4: {  	v5 =	vadd.f32 v10, v5;
	v6 =	vadd.f32 v12, v6;
	v3 =	vld [tilespmem:s13+$0x7390]  }
0xf5: {  	s14 =	sadd.s32 $0x200, s14;
	v8 =	vadd.f32 v11, v8;
	v4 =	vld [tilespmem:s13+$0x73A0];
	v7 =	vadd.f32 v13, v7  }
0xf6: {  	v9 =	vld [tilespmem:s13+$0x73B0]  }
0xf7: {  	v10 =	vld [tilespmem:s13+$0x73E0]  }
0xf8: {  	v11 =	vld [tilespmem:s13+$0x73F0];
	v2 =	vadd.f32 v2, v5  }
0xf9: {  	s12 =	sadd.s32 @!p0 $0x348, s12;
	v3 =	vadd.f32 v3, v6  }
0xfa: {  	s13 =	simm.s32 @!p0 $0x32;
	s14 =	simm.s32 @!p0 $0x7380;
	s10 =	sadd.s32 $0x1, s10;
	v4 =	vadd.f32 v4, v8;
	v1 =	vadd.f32 v1, v2  }
0xfb: {  	[tilespmem:s14], [sflag:$0x8] =	stream.indirect.gather @!p0 [hbm4b:s3+s13], $0x40, s12, s13, $0xb8;
	v60 =	vadd.f32 v9, v7;
	v0 =	vadd.f32 v0, v3;
	[tilespmem:$0xA000] =	vst v63  }
0xfc: {  	p0 =	sne.s32 s10, $0x10;
	v61 =	vadd.f32 v10, v4;
	v1 =	vmul.f32 $1.999999960e-02, v1  }
.Ltmp8:
0xfd: {  	v2 =	vadd.f32 v11, v60;
	v0 =	vmul.f32 $1.999999960e-02, v0;
	(pc) =	sbr.rel @p0 .LBB2_2-.Ltmp8, $4  }
0xfe: {  	[tilespmem:s11+$0x81C0] =	vst v1;
	v62 =	vmul.f32 $1.999999960e-02, v61  }
0xff: {  	[tilespmem:s11+$0x81D0] =	vst v0;
	v63 =	vmul.f32 $1.999999960e-02, v2  }
0x100: {  	[tilespmem:s11+$0x81E0] =	vst v62  }
0x101: {  	[tilespmem:s11+$0x81F0] =	vst v63  }
0x102: {  	s9 =	sadd.s32 $0x1, s9  }
0x103: {  	p0 =	sne.s32 s9, s6  }
.Ltmp9:
0x104: {  	_ = 	snop;
	(pc) =	sbr.rel @p0 .LBB2_1-.Ltmp9, $4  }
0x105: {  	[hbm4b:s5+s2] =	stream.linear.scatter [tilespmem:s0], [sflag:$0x9], $0x2000, $0x38;
	[tilespmem:$0xA000] =	vst v63  }
0x106: {  	_ =	swait.ge [sflag:s7], $0x2000  }
0x107: {  	[sflag:s7] =	ssyncset.done $0x0  }
0x108: {  	[sflag:s7] =	ssyncadd.s32 $0xFFFFE000  }
0x109: {  	_ =	sfence.sel $0x180000  }
0x10a: {  	[bflag:$0x0] =	sbarrier.arrive $0xFFFF  }
0x10b: {  	_ =	strace $0x90000047  }
0x10c: {  	s0 =	stileid.u32;
	[bflag:$0x2] =	sbarrier.arrive $0xFFFF  }
0x10d: {  	p0 =	sne.s32 s0, $0x0;
	s0 =	rddreg [dreg:$0x2]  }
0x10e: {  	s0 =	sadd.s32 @!p0 $0x100000, s0  }
0x10f: {  	[sflag:s0] =	ssyncadd.tile.s32 @!p0 $0x1;
	_ =	shalt  }
.Lfunc_end2:
_tile_overlayer_lowered:
.L_overlay_start_2:
0x110: {  	(tag) =	ssettag $0x2  }
0x111: {  	s0 =	rddreg [dreg:$0x0];
	s2 =	stileid.u32  }
0x112: {  	s1 =	rddreg [dreg:$0x1];
	p0 =	sne.s32 s2, $0x0  }
0x113: {  	s3 =	rddreg [dreg:$0x2];
	[bflag:$0x3] =	sbarrier.arrive $0xFFFF;
	s2 =	simm.s32 @!p0 $0x1C09  }
0x114: {  	[timem:s3], [sflag:s2] =	dma.local @!p0 [hbm:s0], s1  }
0x115: {  	s0 =	simm.s32 @!p0 $0x9  }
0x116: {  	_ =	swait.ge @!p0 [sflag:s0], s1  }
0x117: {  	s1 =	ssub.s32 @!p0 $0x0, s1;
	[sflag:s0] =	ssyncset.done @!p0 $0x0  }
0x118: {  	[sflag:s0] =	ssyncadd.s32 @!p0 s1  }
0x119: {  	[bflag:$0x3] =	sbarrier.arrive $0xFFFF  }
0x11a: {  	_ =	shalt  }

</sc_bundles>
